<compile_context>
chip_gen: v7x
topology: tpu7x:2x2x1
jax: 0.10.2.dev20260603
libtpu: 0.0.44.dev20260713+nightly
codegen_flags: <defaults>
</compile_context>

<pallas_src>
import functools

import jax
import jax.numpy as jnp
from jax import lax
from jax.experimental import pallas as pl
from jax.experimental.pallas import tpu as pltpu
from jax.experimental.pallas import tpu_sc as plsc

_NC = 2
_NS = 16
_NW = _NC * _NS
_L = 16
_CHUNK = 4096
_UNROLL = 4


def _center_loss_partials(y, feat_t, centers_t, *, b, v, d):
    f_per_w = d // _NW
    n_chunks = b // _CHUNK
    mesh = plsc.VectorSubcoreMesh(core_axis_name="c", subcore_axis_name="s")

    @functools.partial(
        pl.kernel,
        mesh=mesh,
        out_type=jax.ShapeDtypeStruct((_NW, _L), jnp.float32),
        scratch_types=[
            pltpu.VMEM((v,), jnp.float32),
            pltpu.VMEM((b,), jnp.int32),
            pltpu.VMEM((2, _CHUNK), jnp.float32),
            pltpu.VMEM((_L,), jnp.float32),
            pltpu.SemaphoreType.DMA,
            pltpu.SemaphoreType.DMA,
            pltpu.SemaphoreType.DMA,
        ],
        compiler_params=pltpu.CompilerParams(needs_layout_passes=False),
    )
    def k(y_hbm, feat_hbm, cent_hbm, out_hbm, row_v, y_v, f_v, acc_v,
          sem_row, sem_a, sem_b):
        wid = lax.axis_index("s") * _NC + lax.axis_index("c")

        pltpu.async_copy(cent_hbm.at[wid * f_per_w], row_v, sem_row)
        pltpu.sync_copy(y_hbm, y_v)

        def stage(feature, chunk, buf, sem):
            pltpu.async_copy(feat_hbm.at[feature, pl.ds(chunk * _CHUNK,
                                                        _CHUNK)],
                             f_v.at[buf], sem)

        def drain(buf, sem):
            pltpu.make_async_copy(
                feat_hbm.at[0, pl.ds(0, _CHUNK)], f_v.at[buf], sem).wait()

        def accum(chunk, buf, accs):
            base = chunk * _CHUNK

            @plsc.parallel_loop(0, _CHUNK // _L, _UNROLL, unroll=2,
                                carry=tuple(accs))
            def body(i, accs):
                out = []
                for u in range(_UNROLL):
                    idx = y_v[pl.ds(base + (i + u) * _L, _L)]
                    fv = f_v[buf, pl.ds((i + u) * _L, _L)]
                    cv = plsc.load_gather(row_v, [idx])
                    diff = fv - cv
                    out.append(accs[u] + diff * diff)
                return tuple(out)

            return list(body)

        accs = [jnp.zeros((_L,), jnp.float32)] * _UNROLL
        for t in range(f_per_w):
            feature = wid * f_per_w + t
            stage(feature, 0, 0, sem_a)
            pltpu.make_async_copy(cent_hbm.at[0], row_v, sem_row).wait()
            for c in range(n_chunks):
                buf = c % 2
                nbuf = 1 - buf
                if c + 1 < n_chunks:
                    stage(feature, c + 1, nbuf, sem_b if nbuf else sem_a)
                drain(buf, sem_b if buf else sem_a)
                accs = accum(c, buf, accs)
            if t + 1 < f_per_w:
                pltpu.async_copy(cent_hbm.at[feature + 1], row_v, sem_row)

        total = accs[0]
        for u in range(1, _UNROLL):
            total = total + accs[u]
        acc_v[...] = total * 0.5
        pltpu.sync_copy(acc_v, out_hbm.at[wid])

    return k(y, feat_t, centers_t)


def kernel(y, feat, centers):
    b, d = feat.shape
    v = centers.shape[0]
    partials = _center_loss_partials(y, feat.T, centers.T, b=b, v=v, d=d)
    return jnp.sum(partials)

# --- scband reference (transcript-rebuilt; emitter-appended) ---
"""Pipeline reference for scband-center-loss-38671885533795 (READ-ONLY COPY).

The authoritative reference and input builder live on the scoring server;
editing this copy changes nothing except your own understanding.
"""

import jax, jax.numpy as jnp
import numpy as np

NUM_CLASSES = 100000
FEAT_DIM = 64
BATCH = 16384

def setup_inputs(seed: int = 0) -> dict:
    key = jax.random.key(seed)
    k1, k2, k3 = jax.random.split(key, 3)
    y = jax.random.randint(k1, (BATCH,), 0, NUM_CLASSES, dtype=jnp.int64 if jax.config.jax_enable_x64 else jnp.int32).astype(jnp.int32)
    feat = jax.random.normal(k2, (BATCH, FEAT_DIM), dtype=jnp.float32)
    centers = jax.random.normal(k3, (NUM_CLASSES, FEAT_DIM), dtype=jnp.float32)
    return {"y": y, "feat": feat, "centers": centers}

def reference(y, feat, centers):
    # feat.view(B,1,1,-1).squeeze() is identity for 2D feat
    centers_pred = jnp.take(centers, y, axis=0)  # gather: index_select(0, label)
    diff = feat - centers_pred
    loss = jnp.sum(jnp.sum(diff * diff, axis=1), axis=0) / 2.0
    return loss

if __name__ == "__main__":
    import jax
    _d = setup_inputs()
    print(jax.jit(kernel)(*tuple(_d.values())))

</pallas_src>

<mosaic_0001>
#map = affine_map<(d0, d1) -> (0)>
#map1 = affine_map<(d0, d1) -> (0, 0)>
module attributes {stable_mosaic.version = 14 : i64} {
  func.func @k(%arg0: i32, %arg1: i32, %arg2: memref<16384xi32, #tpu.memory_space<hbm>>, %arg3: memref<64x16384xf32, #tpu.memory_space<hbm>>, %arg4: memref<64x100000xf32, #tpu.memory_space<hbm>>, %arg5: memref<32x16xf32, #tpu.memory_space<hbm>>, %arg6: memref<100000xf32, #tpu.memory_space<vmem>>, %arg7: memref<16384xi32, #tpu.memory_space<vmem>>, %arg8: memref<2x4096xf32, #tpu.memory_space<vmem>>, %arg9: memref<16xf32, #tpu.memory_space<vmem>>, %arg10: memref<!tpu.dma_semaphore, #tpu.memory_space<semaphore_mem>>, %arg11: memref<!tpu.dma_semaphore, #tpu.memory_space<semaphore_mem>>, %arg12: memref<!tpu.dma_semaphore, #tpu.memory_space<semaphore_mem>>) attributes {dimension_semantics = [#tpu.dimension_semantics<core_parallel>, #tpu.dimension_semantics<subcore_parallel>], iteration_bounds = array<i64: 2, 16>, scalar_prefetch = 0 : i64, scratch_operands = 7 : i64, tpu.core_type = #tpu.core_type<sc_vector_subcore>, window_params = [{transform_indices = #map}, {transform_indices = #map1}, {transform_indices = #map1}, {transform_indices = #map1}]} {
    %mul3A = arith.constant 2 : i32
    %mul3A_0 = arith.muli %arg1, %mul3A : i32
    %add3A = arith.addi %mul3A_0, %arg0 : i32
    %mul3A_1 = arith.constant 2 : i32
    %mul3A_2 = arith.muli %add3A, %mul3A_1 : i32
    %dma_start3A = arith.constant 0 : i32
    %dma_start3A_3 = tpu.memref_slice %arg4[%mul3A_2, %dma_start3A] : memref<64x100000xf32, #tpu.memory_space<hbm>> -> memref<1x100000xf32, #tpu.memory_space<hbm>>
    %dma_start3A_4 = tpu.memref_squeeze %dma_start3A_3 : memref<1x100000xf32, #tpu.memory_space<hbm>> -> memref<100000xf32, #tpu.memory_space<hbm>>
    %dma_start3A_5 = arith.constant 0 : i32
    %dma_start3A_6 = tpu.memref_slice %arg4[%mul3A_2, %dma_start3A_5] : memref<64x100000xf32, #tpu.memory_space<hbm>> -> memref<1x100000xf32, #tpu.memory_space<hbm>>
    %dma_start3A_7 = tpu.memref_squeeze %dma_start3A_6 : memref<1x100000xf32, #tpu.memory_space<hbm>> -> memref<100000xf32, #tpu.memory_space<hbm>>
    tpu.enqueue_dma source(%dma_start3A_7 : memref<100000xf32, #tpu.memory_space<hbm>>) target(%arg6 : memref<100000xf32, #tpu.memory_space<vmem>>) target_semaphore(%arg10 : memref<!tpu.dma_semaphore, #tpu.memory_space<semaphore_mem>>)
    "tpu.region"() ({
      %run_scoped3A = tpu.sem_alloc : memref<!tpu.dma_semaphore, #tpu.memory_space<semaphore_mem>>
      tpu.enqueue_dma source(%arg2 : memref<16384xi32, #tpu.memory_space<hbm>>) target(%arg7 : memref<16384xi32, #tpu.memory_space<vmem>>) target_semaphore(%run_scoped3A : memref<!tpu.dma_semaphore, #tpu.memory_space<semaphore_mem>>)
      tpu.wait_dma2 semaphore(%run_scoped3A : memref<!tpu.dma_semaphore, #tpu.memory_space<semaphore_mem>>) src(%arg2 : memref<16384xi32, #tpu.memory_space<hbm>>) dst(%arg7 : memref<16384xi32, #tpu.memory_space<vmem>>)
      tpu.yield
    }) : () -> ()
    %broadcast_in_dim3A = arith.constant 0.000000e+00 : f32
    %broadcast_in_dim3A_8 = vector.broadcast %broadcast_in_dim3A : f32 to vector<16xf32>
    %mul3A_9 = arith.constant 2 : i32
    %mul3A_10 = arith.muli %add3A, %mul3A_9 : i32
    %add3A_11 = arith.constant 0 : i32
    %add3A_12 = arith.addi %mul3A_10, %add3A_11 : i32
    %dma_start3A_13 = arith.constant 0 : i32
    %dma_start3A_14 = arith.constant 0 : i32
    %dma_start3A_15 = tpu.memref_slice %arg8[%dma_start3A_13, %dma_start3A_14] : memref<2x4096xf32, #tpu.memory_space<vmem>> -> memref<1x4096xf32, #tpu.memory_space<vmem>>
    %dma_start3A_16 = tpu.memref_squeeze %dma_start3A_15 : memref<1x4096xf32, #tpu.memory_space<vmem>> -> memref<4096xf32, #tpu.memory_space<vmem>>
    %dma_start3A_17 = arith.constant 0 : i32
    %dma_start3A_18 = tpu.memref_slice %arg3[%add3A_12, %dma_start3A_17] : memref<64x16384xf32, #tpu.memory_space<hbm>> -> memref<1x4096xf32, #tpu.memory_space<hbm>>
    %dma_start3A_19 = tpu.memref_squeeze %dma_start3A_18 : memref<1x4096xf32, #tpu.memory_space<hbm>> -> memref<4096xf32, #tpu.memory_space<hbm>>
    %dma_start3A_20 = arith.constant 0 : i32
    %dma_start3A_21 = tpu.memref_slice %arg8[%dma_start3A_13, %dma_start3A_20] : memref<2x4096xf32, #tpu.memory_space<vmem>> -> memref<1x4096xf32, #tpu.memory_space<vmem>>
    %dma_start3A_22 = tpu.memref_squeeze %dma_start3A_21 : memref<1x4096xf32, #tpu.memory_space<vmem>> -> memref<4096xf32, #tpu.memory_space<vmem>>
    %dma_start3A_23 = arith.constant 0 : i32
    %dma_start3A_24 = tpu.memref_slice %arg3[%add3A_12, %dma_start3A_23] : memref<64x16384xf32, #tpu.memory_space<hbm>> -> memref<1x4096xf32, #tpu.memory_space<hbm>>
    %dma_start3A_25 = tpu.memref_squeeze %dma_start3A_24 : memref<1x4096xf32, #tpu.memory_space<hbm>> -> memref<4096xf32, #tpu.memory_space<hbm>>
    tpu.enqueue_dma source(%dma_start3A_25 : memref<4096xf32, #tpu.memory_space<hbm>>) target(%dma_start3A_22 : memref<4096xf32, #tpu.memory_space<vmem>>) target_semaphore(%arg11 : memref<!tpu.dma_semaphore, #tpu.memory_space<semaphore_mem>>)
    %dma_wait3A = arith.constant 0 : i32
    %dma_wait3A_26 = arith.constant 0 : i32
    %dma_wait3A_27 = tpu.memref_slice %arg4[%dma_wait3A, %dma_wait3A_26] : memref<64x100000xf32, #tpu.memory_space<hbm>> -> memref<1x100000xf32, #tpu.memory_space<hbm>>
    %dma_wait3A_28 = tpu.memref_squeeze %dma_wait3A_27 : memref<1x100000xf32, #tpu.memory_space<hbm>> -> memref<100000xf32, #tpu.memory_space<hbm>>
    %dma_wait3A_29 = arith.constant 0 : i32
    %dma_wait3A_30 = tpu.memref_slice %arg4[%dma_wait3A, %dma_wait3A_29] : memref<64x100000xf32, #tpu.memory_space<hbm>> -> memref<1x100000xf32, #tpu.memory_space<hbm>>
    %dma_wait3A_31 = tpu.memref_squeeze %dma_wait3A_30 : memref<1x100000xf32, #tpu.memory_space<hbm>> -> memref<100000xf32, #tpu.memory_space<hbm>>
    tpu.wait_dma2 semaphore(%arg10 : memref<!tpu.dma_semaphore, #tpu.memory_space<semaphore_mem>>) src(%dma_wait3A_31 : memref<100000xf32, #tpu.memory_space<hbm>>) dst(%arg6 : memref<100000xf32, #tpu.memory_space<vmem>>)
    %dma_start3A_32 = arith.constant 1 : i32
    %dma_start3A_33 = arith.constant 0 : i32
    %dma_start3A_34 = tpu.memref_slice %arg8[%dma_start3A_32, %dma_start3A_33] : memref<2x4096xf32, #tpu.memory_space<vmem>> -> memref<1x4096xf32, #tpu.memory_space<vmem>>
    %dma_start3A_35 = tpu.memref_squeeze %dma_start3A_34 : memref<1x4096xf32, #tpu.memory_space<vmem>> -> memref<4096xf32, #tpu.memory_space<vmem>>
    %dma_start3A_36 = arith.constant 4096 : i32
    %dma_start3A_37 = tpu.memref_slice %arg3[%add3A_12, %dma_start3A_36] : memref<64x16384xf32, #tpu.memory_space<hbm>> -> memref<1x4096xf32, #tpu.memory_space<hbm>>
    %dma_start3A_38 = tpu.memref_squeeze %dma_start3A_37 : memref<1x4096xf32, #tpu.memory_space<hbm>> -> memref<4096xf32, #tpu.memory_space<hbm>>
    %dma_start3A_39 = arith.constant 0 : i32
    %dma_start3A_40 = tpu.memref_slice %arg8[%dma_start3A_32, %dma_start3A_39] : memref<2x4096xf32, #tpu.memory_space<vmem>> -> memref<1x4096xf32, #tpu.memory_space<vmem>>
    %dma_start3A_41 = tpu.memref_squeeze %dma_start3A_40 : memref<1x4096xf32, #tpu.memory_space<vmem>> -> memref<4096xf32, #tpu.memory_space<vmem>>
    %dma_start3A_42 = arith.constant 4096 : i32
    %dma_start3A_43 = tpu.memref_slice %arg3[%add3A_12, %dma_start3A_42] : memref<64x16384xf32, #tpu.memory_space<hbm>> -> memref<1x4096xf32, #tpu.memory_space<hbm>>
    %dma_start3A_44 = tpu.memref_squeeze %dma_start3A_43 : memref<1x4096xf32, #tpu.memory_space<hbm>> -> memref<4096xf32, #tpu.memory_space<hbm>>
    tpu.enqueue_dma source(%dma_start3A_44 : memref<4096xf32, #tpu.memory_space<hbm>>) target(%dma_start3A_41 : memref<4096xf32, #tpu.memory_space<vmem>>) target_semaphore(%arg12 : memref<!tpu.dma_semaphore, #tpu.memory_space<semaphore_mem>>)
    %dma_wait3A_45 = arith.constant 0 : i32
    %dma_wait3A_46 = arith.constant 0 : i32
    %dma_wait3A_47 = arith.constant 0 : i32
    %dma_wait3A_48 = tpu.memref_slice %arg8[%dma_wait3A_46, %dma_wait3A_47] : memref<2x4096xf32, #tpu.memory_space<vmem>> -> memref<1x4096xf32, #tpu.memory_space<vmem>>
    %dma_wait3A_49 = tpu.memref_squeeze %dma_wait3A_48 : memref<1x4096xf32, #tpu.memory_space<vmem>> -> memref<4096xf32, #tpu.memory_space<vmem>>
    %dma_wait3A_50 = arith.constant 0 : i32
    %dma_wait3A_51 = tpu.memref_slice %arg3[%dma_wait3A_45, %dma_wait3A_50] : memref<64x16384xf32, #tpu.memory_space<hbm>> -> memref<1x4096xf32, #tpu.memory_space<hbm>>
    %dma_wait3A_52 = tpu.memref_squeeze %dma_wait3A_51 : memref<1x4096xf32, #tpu.memory_space<hbm>> -> memref<4096xf32, #tpu.memory_space<hbm>>
    %dma_wait3A_53 = arith.constant 0 : i32
    %dma_wait3A_54 = tpu.memref_slice %arg8[%dma_wait3A_46, %dma_wait3A_53] : memref<2x4096xf32, #tpu.memory_space<vmem>> -> memref<1x4096xf32, #tpu.memory_space<vmem>>
    %dma_wait3A_55 = tpu.memref_squeeze %dma_wait3A_54 : memref<1x4096xf32, #tpu.memory_space<vmem>> -> memref<4096xf32, #tpu.memory_space<vmem>>
    %dma_wait3A_56 = arith.constant 0 : i32
    %dma_wait3A_57 = tpu.memref_slice %arg3[%dma_wait3A_45, %dma_wait3A_56] : memref<64x16384xf32, #tpu.memory_space<hbm>> -> memref<1x4096xf32, #tpu.memory_space<hbm>>
    %dma_wait3A_58 = tpu.memref_squeeze %dma_wait3A_57 : memref<1x4096xf32, #tpu.memory_space<hbm>> -> memref<4096xf32, #tpu.memory_space<hbm>>
    tpu.wait_dma2 semaphore(%arg11 : memref<!tpu.dma_semaphore, #tpu.memory_space<semaphore_mem>>) src(%dma_wait3A_58 : memref<4096xf32, #tpu.memory_space<hbm>>) dst(%dma_wait3A_55 : memref<4096xf32, #tpu.memory_space<vmem>>)
    %parallel_loop3A = arith.constant 0 : i32
    %parallel_loop3A_59 = arith.constant 256 : i32
    %parallel_loop3A_60 = arith.constant 4 : i32
    %parallel_loop3A_61:4 = scf.for %parallel_loop3A_292 = %parallel_loop3A to %parallel_loop3A_59 step %parallel_loop3A_60 iter_args(%parallel_loop3A_293 = %broadcast_in_dim3A_8, %parallel_loop3A_294 = %broadcast_in_dim3A_8, %parallel_loop3A_295 = %broadcast_in_dim3A_8, %parallel_loop3A_296 = %broadcast_in_dim3A_8) -> (vector<16xf32>, vector<16xf32>, vector<16xf32>, vector<16xf32>)  : i32 {
      %parallel_loop3A_297 = arith.constant 0 : i32
      %parallel_loop3A_298 = arith.addi %parallel_loop3A_292, %parallel_loop3A_297 : i32
      %parallel_loop3A_299 = arith.constant 16 : i32
      %parallel_loop3A_300 = arith.muli %parallel_loop3A_298, %parallel_loop3A_299 : i32
      %parallel_loop3A_301 = arith.constant 0 : i32
      %parallel_loop3A_302 = arith.addi %parallel_loop3A_301, %parallel_loop3A_300 : i32
      %parallel_loop3A_303 = arith.index_cast %parallel_loop3A_302 : i32 to index
      %parallel_loop3A_304 = tpu.vector_load %arg7[%parallel_loop3A_303] {strides = array<i32>} : memref<16384xi32, #tpu.memory_space<vmem>>, vector<16xi32>,
      %parallel_loop3A_305 = arith.constant 0 : i32
      %parallel_loop3A_306 = arith.addi %parallel_loop3A_292, %parallel_loop3A_305 : i32
      %parallel_loop3A_307 = arith.constant 16 : i32
      %parallel_loop3A_308 = arith.muli %parallel_loop3A_306, %parallel_loop3A_307 : i32
      %parallel_loop3A_309 = arith.constant 0 : i32
      %parallel_loop3A_310 = arith.index_cast %parallel_loop3A_309 : i32 to index
      %parallel_loop3A_311 = arith.index_cast %parallel_loop3A_308 : i32 to index
      %parallel_loop3A_312 = tpu.vector_load %arg8[%parallel_loop3A_310, %parallel_loop3A_311] {strides = array<i32>} : memref<2x4096xf32, #tpu.memory_space<vmem>>, vector<16xf32>,
      %parallel_loop3A_313 = tpu.vector_load_idx %arg6[%parallel_loop3A_304] : memref<100000xf32, #tpu.memory_space<vmem>>[vector<16xi32>], vector<16xf32>,
      %parallel_loop3A_314 = arith.subf %parallel_loop3A_312, %parallel_loop3A_313 : vector<16xf32>
      %parallel_loop3A_315 = arith.mulf %parallel_loop3A_314, %parallel_loop3A_314 : vector<16xf32>
      %parallel_loop3A_316 = arith.addf %parallel_loop3A_293, %parallel_loop3A_315 : vector<16xf32>
      %parallel_loop3A_317 = arith.constant 1 : i32
      %parallel_loop3A_318 = arith.addi %parallel_loop3A_292, %parallel_loop3A_317 : i32
      %parallel_loop3A_319 = arith.constant 16 : i32
      %parallel_loop3A_320 = arith.muli %parallel_loop3A_318, %parallel_loop3A_319 : i32
      %parallel_loop3A_321 = arith.constant 0 : i32
      %parallel_loop3A_322 = arith.addi %parallel_loop3A_321, %parallel_loop3A_320 : i32
      %parallel_loop3A_323 = arith.index_cast %parallel_loop3A_322 : i32 to index
      %parallel_loop3A_324 = tpu.vector_load %arg7[%parallel_loop3A_323] {strides = array<i32>} : memref<16384xi32, #tpu.memory_space<vmem>>, vector<16xi32>,
      %parallel_loop3A_325 = arith.constant 1 : i32
      %parallel_loop3A_326 = arith.addi %parallel_loop3A_292, %parallel_loop3A_325 : i32
      %parallel_loop3A_327 = arith.constant 16 : i32
      %parallel_loop3A_328 = arith.muli %parallel_loop3A_326, %parallel_loop3A_327 : i32
      %parallel_loop3A_329 = arith.constant 0 : i32
      %parallel_loop3A_330 = arith.index_cast %parallel_loop3A_329 : i32 to index
      %parallel_loop3A_331 = arith.index_cast %parallel_loop3A_328 : i32 to index
      %parallel_loop3A_332 = tpu.vector_load %arg8[%parallel_loop3A_330, %parallel_loop3A_331] {strides = array<i32>} : memref<2x4096xf32, #tpu.memory_space<vmem>>, vector<16xf32>,
      %parallel_loop3A_333 = tpu.vector_load_idx %arg6[%parallel_loop3A_324] : memref<100000xf32, #tpu.memory_space<vmem>>[vector<16xi32>], vector<16xf32>,
      %parallel_loop3A_334 = arith.subf %parallel_loop3A_332, %parallel_loop3A_333 : vector<16xf32>
      %parallel_loop3A_335 = arith.mulf %parallel_loop3A_334, %parallel_loop3A_334 : vector<16xf32>
      %parallel_loop3A_336 = arith.addf %parallel_loop3A_294, %parallel_loop3A_335 : vector<16xf32>
      %parallel_loop3A_337 = arith.constant 2 : i32
      %parallel_loop3A_338 = arith.addi %parallel_loop3A_292, %parallel_loop3A_337 : i32
      %parallel_loop3A_339 = arith.constant 16 : i32
      %parallel_loop3A_340 = arith.muli %parallel_loop3A_338, %parallel_loop3A_339 : i32
      %parallel_loop3A_341 = arith.constant 0 : i32
      %parallel_loop3A_342 = arith.addi %parallel_loop3A_341, %parallel_loop3A_340 : i32
      %parallel_loop3A_343 = arith.index_cast %parallel_loop3A_342 : i32 to index
      %parallel_loop3A_344 = tpu.vector_load %arg7[%parallel_loop3A_343] {strides = array<i32>} : memref<16384xi32, #tpu.memory_space<vmem>>, vector<16xi32>,
      %parallel_loop3A_345 = arith.constant 2 : i32
      %parallel_loop3A_346 = arith.addi %parallel_loop3A_292, %parallel_loop3A_345 : i32
      %parallel_loop3A_347 = arith.constant 16 : i32
      %parallel_loop3A_348 = arith.muli %parallel_loop3A_346, %parallel_loop3A_347 : i32
      %parallel_loop3A_349 = arith.constant 0 : i32
      %parallel_loop3A_350 = arith.index_cast %parallel_loop3A_349 : i32 to index
      %parallel_loop3A_351 = arith.index_cast %parallel_loop3A_348 : i32 to index
      %parallel_loop3A_352 = tpu.vector_load %arg8[%parallel_loop3A_350, %parallel_loop3A_351] {strides = array<i32>} : memref<2x4096xf32, #tpu.memory_space<vmem>>, vector<16xf32>,
      %parallel_loop3A_353 = tpu.vector_load_idx %arg6[%parallel_loop3A_344] : memref<100000xf32, #tpu.memory_space<vmem>>[vector<16xi32>], vector<16xf32>,
      %parallel_loop3A_354 = arith.subf %parallel_loop3A_352, %parallel_loop3A_353 : vector<16xf32>
      %parallel_loop3A_355 = arith.mulf %parallel_loop3A_354, %parallel_loop3A_354 : vector<16xf32>
      %parallel_loop3A_356 = arith.addf %parallel_loop3A_295, %parallel_loop3A_355 : vector<16xf32>
      %parallel_loop3A_357 = arith.constant 3 : i32
      %parallel_loop3A_358 = arith.addi %parallel_loop3A_292, %parallel_loop3A_357 : i32
      %parallel_loop3A_359 = arith.constant 16 : i32
      %parallel_loop3A_360 = arith.muli %parallel_loop3A_358, %parallel_loop3A_359 : i32
      %parallel_loop3A_361 = arith.constant 0 : i32
      %parallel_loop3A_362 = arith.addi %parallel_loop3A_361, %parallel_loop3A_360 : i32
      %parallel_loop3A_363 = arith.index_cast %parallel_loop3A_362 : i32 to index
      %parallel_loop3A_364 = tpu.vector_load %arg7[%parallel_loop3A_363] {strides = array<i32>} : memref<16384xi32, #tpu.memory_space<vmem>>, vector<16xi32>,
      %parallel_loop3A_365 = arith.constant 3 : i32
      %parallel_loop3A_366 = arith.addi %parallel_loop3A_292, %parallel_loop3A_365 : i32
      %parallel_loop3A_367 = arith.constant 16 : i32
      %parallel_loop3A_368 = arith.muli %parallel_loop3A_366, %parallel_loop3A_367 : i32
      %parallel_loop3A_369 = arith.constant 0 : i32
      %parallel_loop3A_370 = arith.index_cast %parallel_loop3A_369 : i32 to index
      %parallel_loop3A_371 = arith.index_cast %parallel_loop3A_368 : i32 to index
      %parallel_loop3A_372 = tpu.vector_load %arg8[%parallel_loop3A_370, %parallel_loop3A_371] {strides = array<i32>} : memref<2x4096xf32, #tpu.memory_space<vmem>>, vector<16xf32>,
      %parallel_loop3A_373 = tpu.vector_load_idx %arg6[%parallel_loop3A_364] : memref<100000xf32, #tpu.memory_space<vmem>>[vector<16xi32>], vector<16xf32>,
      %parallel_loop3A_374 = arith.subf %parallel_loop3A_372, %parallel_loop3A_373 : vector<16xf32>
      %parallel_loop3A_375 = arith.mulf %parallel_loop3A_374, %parallel_loop3A_374 : vector<16xf32>
      %parallel_loop3A_376 = arith.addf %parallel_loop3A_296, %parallel_loop3A_375 : vector<16xf32>
      scf.yield %parallel_loop3A_316, %parallel_loop3A_336, %parallel_loop3A_356, %parallel_loop3A_376 : vector<16xf32>, vector<16xf32>, vector<16xf32>, vector<16xf32>
    } {sc.loop_unroll_factor = 2 : i64, sc.parallel_access}
    %dma_start3A_62 = arith.constant 0 : i32
    %dma_start3A_63 = arith.constant 0 : i32
    %dma_start3A_64 = tpu.memref_slice %arg8[%dma_start3A_62, %dma_start3A_63] : memref<2x4096xf32, #tpu.memory_space<vmem>> -> memref<1x4096xf32, #tpu.memory_space<vmem>>
    %dma_start3A_65 = tpu.memref_squeeze %dma_start3A_64 : memref<1x4096xf32, #tpu.memory_space<vmem>> -> memref<4096xf32, #tpu.memory_space<vmem>>
    %dma_start3A_66 = arith.constant 8192 : i32
    %dma_start3A_67 = tpu.memref_slice %arg3[%add3A_12, %dma_start3A_66] : memref<64x16384xf32, #tpu.memory_space<hbm>> -> memref<1x4096xf32, #tpu.memory_space<hbm>>
    %dma_start3A_68 = tpu.memref_squeeze %dma_start3A_67 : memref<1x4096xf32, #tpu.memory_space<hbm>> -> memref<4096xf32, #tpu.memory_space<hbm>>
    %dma_start3A_69 = arith.constant 0 : i32
    %dma_start3A_70 = tpu.memref_slice %arg8[%dma_start3A_62, %dma_start3A_69] : memref<2x4096xf32, #tpu.memory_space<vmem>> -> memref<1x4096xf32, #tpu.memory_space<vmem>>
    %dma_start3A_71 = tpu.memref_squeeze %dma_start3A_70 : memref<1x4096xf32, #tpu.memory_space<vmem>> -> memref<4096xf32, #tpu.memory_space<vmem>>
    %dma_start3A_72 = arith.constant 8192 : i32
    %dma_start3A_73 = tpu.memref_slice %arg3[%add3A_12, %dma_start3A_72] : memref<64x16384xf32, #tpu.memory_space<hbm>> -> memref<1x4096xf32, #tpu.memory_space<hbm>>
    %dma_start3A_74 = tpu.memref_squeeze %dma_start3A_73 : memref<1x4096xf32, #tpu.memory_space<hbm>> -> memref<4096xf32, #tpu.memory_space<hbm>>
    tpu.enqueue_dma source(%dma_start3A_74 : memref<4096xf32, #tpu.memory_space<hbm>>) target(%dma_start3A_71 : memref<4096xf32, #tpu.memory_space<vmem>>) target_semaphore(%arg11 : memref<!tpu.dma_semaphore, #tpu.memory_space<semaphore_mem>>)
    %dma_wait3A_75 = arith.constant 0 : i32
    %dma_wait3A_76 = arith.constant 1 : i32
    %dma_wait3A_77 = arith.constant 0 : i32
    %dma_wait3A_78 = tpu.memref_slice %arg8[%dma_wait3A_76, %dma_wait3A_77] : memref<2x4096xf32, #tpu.memory_space<vmem>> -> memref<1x4096xf32, #tpu.memory_space<vmem>>
    %dma_wait3A_79 = tpu.memref_squeeze %dma_wait3A_78 : memref<1x4096xf32, #tpu.memory_space<vmem>> -> memref<4096xf32, #tpu.memory_space<vmem>>
    %dma_wait3A_80 = arith.constant 0 : i32
    %dma_wait3A_81 = tpu.memref_slice %arg3[%dma_wait3A_75, %dma_wait3A_80] : memref<64x16384xf32, #tpu.memory_space<hbm>> -> memref<1x4096xf32, #tpu.memory_space<hbm>>
    %dma_wait3A_82 = tpu.memref_squeeze %dma_wait3A_81 : memref<1x4096xf32, #tpu.memory_space<hbm>> -> memref<4096xf32, #tpu.memory_space<hbm>>
    %dma_wait3A_83 = arith.constant 0 : i32
    %dma_wait3A_84 = tpu.memref_slice %arg8[%dma_wait3A_76, %dma_wait3A_83] : memref<2x4096xf32, #tpu.memory_space<vmem>> -> memref<1x4096xf32, #tpu.memory_space<vmem>>
    %dma_wait3A_85 = tpu.memref_squeeze %dma_wait3A_84 : memref<1x4096xf32, #tpu.memory_space<vmem>> -> memref<4096xf32, #tpu.memory_space<vmem>>
    %dma_wait3A_86 = arith.constant 0 : i32
    %dma_wait3A_87 = tpu.memref_slice %arg3[%dma_wait3A_75, %dma_wait3A_86] : memref<64x16384xf32, #tpu.memory_space<hbm>> -> memref<1x4096xf32, #tpu.memory_space<hbm>>
    %dma_wait3A_88 = tpu.memref_squeeze %dma_wait3A_87 : memref<1x4096xf32, #tpu.memory_space<hbm>> -> memref<4096xf32, #tpu.memory_space<hbm>>
    tpu.wait_dma2 semaphore(%arg12 : memref<!tpu.dma_semaphore, #tpu.memory_space<semaphore_mem>>) src(%dma_wait3A_88 : memref<4096xf32, #tpu.memory_space<hbm>>) dst(%dma_wait3A_85 : memref<4096xf32, #tpu.memory_space<vmem>>)
    %parallel_loop3A_89 = arith.constant 0 : i32
    %parallel_loop3A_90 = arith.constant 256 : i32
    %parallel_loop3A_91 = arith.constant 4 : i32
    %parallel_loop3A_92:4 = scf.for %parallel_loop3A_292 = %parallel_loop3A_89 to %parallel_loop3A_90 step %parallel_loop3A_91 iter_args(%parallel_loop3A_293 = %parallel_loop3A_61#0, %parallel_loop3A_294 = %parallel_loop3A_61#1, %parallel_loop3A_295 = %parallel_loop3A_61#2, %parallel_loop3A_296 = %parallel_loop3A_61#3) -> (vector<16xf32>, vector<16xf32>, vector<16xf32>, vector<16xf32>)  : i32 {
      %parallel_loop3A_297 = arith.constant 0 : i32
      %parallel_loop3A_298 = arith.addi %parallel_loop3A_292, %parallel_loop3A_297 : i32
      %parallel_loop3A_299 = arith.constant 16 : i32
      %parallel_loop3A_300 = arith.muli %parallel_loop3A_298, %parallel_loop3A_299 : i32
      %parallel_loop3A_301 = arith.constant 4096 : i32
      %parallel_loop3A_302 = arith.addi %parallel_loop3A_301, %parallel_loop3A_300 : i32
      %parallel_loop3A_303 = arith.index_cast %parallel_loop3A_302 : i32 to index
      %parallel_loop3A_304 = tpu.vector_load %arg7[%parallel_loop3A_303] {strides = array<i32>} : memref<16384xi32, #tpu.memory_space<vmem>>, vector<16xi32>,
      %parallel_loop3A_305 = arith.constant 0 : i32
      %parallel_loop3A_306 = arith.addi %parallel_loop3A_292, %parallel_loop3A_305 : i32
      %parallel_loop3A_307 = arith.constant 16 : i32
      %parallel_loop3A_308 = arith.muli %parallel_loop3A_306, %parallel_loop3A_307 : i32
      %parallel_loop3A_309 = arith.constant 1 : i32
      %parallel_loop3A_310 = arith.index_cast %parallel_loop3A_309 : i32 to index
      %parallel_loop3A_311 = arith.index_cast %parallel_loop3A_308 : i32 to index
      %parallel_loop3A_312 = tpu.vector_load %arg8[%parallel_loop3A_310, %parallel_loop3A_311] {strides = array<i32>} : memref<2x4096xf32, #tpu.memory_space<vmem>>, vector<16xf32>,
      %parallel_loop3A_313 = tpu.vector_load_idx %arg6[%parallel_loop3A_304] : memref<100000xf32, #tpu.memory_space<vmem>>[vector<16xi32>], vector<16xf32>,
      %parallel_loop3A_314 = arith.subf %parallel_loop3A_312, %parallel_loop3A_313 : vector<16xf32>
      %parallel_loop3A_315 = arith.mulf %parallel_loop3A_314, %parallel_loop3A_314 : vector<16xf32>
      %parallel_loop3A_316 = arith.addf %parallel_loop3A_293, %parallel_loop3A_315 : vector<16xf32>
      %parallel_loop3A_317 = arith.constant 1 : i32
      %parallel_loop3A_318 = arith.addi %parallel_loop3A_292, %parallel_loop3A_317 : i32
      %parallel_loop3A_319 = arith.constant 16 : i32
      %parallel_loop3A_320 = arith.muli %parallel_loop3A_318, %parallel_loop3A_319 : i32
      %parallel_loop3A_321 = arith.constant 4096 : i32
      %parallel_loop3A_322 = arith.addi %parallel_loop3A_321, %parallel_loop3A_320 : i32
      %parallel_loop3A_323 = arith.index_cast %parallel_loop3A_322 : i32 to index
      %parallel_loop3A_324 = tpu.vector_load %arg7[%parallel_loop3A_323] {strides = array<i32>} : memref<16384xi32, #tpu.memory_space<vmem>>, vector<16xi32>,
      %parallel_loop3A_325 = arith.constant 1 : i32
      %parallel_loop3A_326 = arith.addi %parallel_loop3A_292, %parallel_loop3A_325 : i32
      %parallel_loop3A_327 = arith.constant 16 : i32
      %parallel_loop3A_328 = arith.muli %parallel_loop3A_326, %parallel_loop3A_327 : i32
      %parallel_loop3A_329 = arith.constant 1 : i32
      %parallel_loop3A_330 = arith.index_cast %parallel_loop3A_329 : i32 to index
      %parallel_loop3A_331 = arith.index_cast %parallel_loop3A_328 : i32 to index
      %parallel_loop3A_332 = tpu.vector_load %arg8[%parallel_loop3A_330, %parallel_loop3A_331] {strides = array<i32>} : memref<2x4096xf32, #tpu.memory_space<vmem>>, vector<16xf32>,
      %parallel_loop3A_333 = tpu.vector_load_idx %arg6[%parallel_loop3A_324] : memref<100000xf32, #tpu.memory_space<vmem>>[vector<16xi32>], vector<16xf32>,
      %parallel_loop3A_334 = arith.subf %parallel_loop3A_332, %parallel_loop3A_333 : vector<16xf32>
      %parallel_loop3A_335 = arith.mulf %parallel_loop3A_334, %parallel_loop3A_334 : vector<16xf32>
      %parallel_loop3A_336 = arith.addf %parallel_loop3A_294, %parallel_loop3A_335 : vector<16xf32>
      %parallel_loop3A_337 = arith.constant 2 : i32
      %parallel_loop3A_338 = arith.addi %parallel_loop3A_292, %parallel_loop3A_337 : i32
      %parallel_loop3A_339 = arith.constant 16 : i32
      %parallel_loop3A_340 = arith.muli %parallel_loop3A_338, %parallel_loop3A_339 : i32
      %parallel_loop3A_341 = arith.constant 4096 : i32
      %parallel_loop3A_342 = arith.addi %parallel_loop3A_341, %parallel_loop3A_340 : i32
      %parallel_loop3A_343 = arith.index_cast %parallel_loop3A_342 : i32 to index
      %parallel_loop3A_344 = tpu.vector_load %arg7[%parallel_loop3A_343] {strides = array<i32>} : memref<16384xi32, #tpu.memory_space<vmem>>, vector<16xi32>,
      %parallel_loop3A_345 = arith.constant 2 : i32
      %parallel_loop3A_346 = arith.addi %parallel_loop3A_292, %parallel_loop3A_345 : i32
      %parallel_loop3A_347 = arith.constant 16 : i32
      %parallel_loop3A_348 = arith.muli %parallel_loop3A_346, %parallel_loop3A_347 : i32
      %parallel_loop3A_349 = arith.constant 1 : i32
      %parallel_loop3A_350 = arith.index_cast %parallel_loop3A_349 : i32 to index
      %parallel_loop3A_351 = arith.index_cast %parallel_loop3A_348 : i32 to index
      %parallel_loop3A_352 = tpu.vector_load %arg8[%parallel_loop3A_350, %parallel_loop3A_351] {strides = array<i32>} : memref<2x4096xf32, #tpu.memory_space<vmem>>, vector<16xf32>,
      %parallel_loop3A_353 = tpu.vector_load_idx %arg6[%parallel_loop3A_344] : memref<100000xf32, #tpu.memory_space<vmem>>[vector<16xi32>], vector<16xf32>,
      %parallel_loop3A_354 = arith.subf %parallel_loop3A_352, %parallel_loop3A_353 : vector<16xf32>
      %parallel_loop3A_355 = arith.mulf %parallel_loop3A_354, %parallel_loop3A_354 : vector<16xf32>
      %parallel_loop3A_356 = arith.addf %parallel_loop3A_295, %parallel_loop3A_355 : vector<16xf32>
      %parallel_loop3A_357 = arith.constant 3 : i32
      %parallel_loop3A_358 = arith.addi %parallel_loop3A_292, %parallel_loop3A_357 : i32
      %parallel_loop3A_359 = arith.constant 16 : i32
      %parallel_loop3A_360 = arith.muli %parallel_loop3A_358, %parallel_loop3A_359 : i32
      %parallel_loop3A_361 = arith.constant 4096 : i32
      %parallel_loop3A_362 = arith.addi %parallel_loop3A_361, %parallel_loop3A_360 : i32
      %parallel_loop3A_363 = arith.index_cast %parallel_loop3A_362 : i32 to index
      %parallel_loop3A_364 = tpu.vector_load %arg7[%parallel_loop3A_363] {strides = array<i32>} : memref<16384xi32, #tpu.memory_space<vmem>>, vector<16xi32>,
      %parallel_loop3A_365 = arith.constant 3 : i32
      %parallel_loop3A_366 = arith.addi %parallel_loop3A_292, %parallel_loop3A_365 : i32
      %parallel_loop3A_367 = arith.constant 16 : i32
      %parallel_loop3A_368 = arith.muli %parallel_loop3A_366, %parallel_loop3A_367 : i32
      %parallel_loop3A_369 = arith.constant 1 : i32
      %parallel_loop3A_370 = arith.index_cast %parallel_loop3A_369 : i32 to index
      %parallel_loop3A_371 = arith.index_cast %parallel_loop3A_368 : i32 to index
      %parallel_loop3A_372 = tpu.vector_load %arg8[%parallel_loop3A_370, %parallel_loop3A_371] {strides = array<i32>} : memref<2x4096xf32, #tpu.memory_space<vmem>>, vector<16xf32>,
      %parallel_loop3A_373 = tpu.vector_load_idx %arg6[%parallel_loop3A_364] : memref<100000xf32, #tpu.memory_space<vmem>>[vector<16xi32>], vector<16xf32>,
      %parallel_loop3A_374 = arith.subf %parallel_loop3A_372, %parallel_loop3A_373 : vector<16xf32>
      %parallel_loop3A_375 = arith.mulf %parallel_loop3A_374, %parallel_loop3A_374 : vector<16xf32>
      %parallel_loop3A_376 = arith.addf %parallel_loop3A_296, %parallel_loop3A_375 : vector<16xf32>
      scf.yield %parallel_loop3A_316, %parallel_loop3A_336, %parallel_loop3A_356, %parallel_loop3A_376 : vector<16xf32>, vector<16xf32>, vector<16xf32>, vector<16xf32>
    } {sc.loop_unroll_factor = 2 : i64, sc.parallel_access}
    %dma_start3A_93 = arith.constant 1 : i32
    %dma_start3A_94 = arith.constant 0 : i32
    %dma_start3A_95 = tpu.memref_slice %arg8[%dma_start3A_93, %dma_start3A_94] : memref<2x4096xf32, #tpu.memory_space<vmem>> -> memref<1x4096xf32, #tpu.memory_space<vmem>>
    %dma_start3A_96 = tpu.memref_squeeze %dma_start3A_95 : memref<1x4096xf32, #tpu.memory_space<vmem>> -> memref<4096xf32, #tpu.memory_space<vmem>>
    %dma_start3A_97 = arith.constant 12288 : i32
    %dma_start3A_98 = tpu.memref_slice %arg3[%add3A_12, %dma_start3A_97] : memref<64x16384xf32, #tpu.memory_space<hbm>> -> memref<1x4096xf32, #tpu.memory_space<hbm>>
    %dma_start3A_99 = tpu.memref_squeeze %dma_start3A_98 : memref<1x4096xf32, #tpu.memory_space<hbm>> -> memref<4096xf32, #tpu.memory_space<hbm>>
    %dma_start3A_100 = arith.constant 0 : i32
    %dma_start3A_101 = tpu.memref_slice %arg8[%dma_start3A_93, %dma_start3A_100] : memref<2x4096xf32, #tpu.memory_space<vmem>> -> memref<1x4096xf32, #tpu.memory_space<vmem>>
    %dma_start3A_102 = tpu.memref_squeeze %dma_start3A_101 : memref<1x4096xf32, #tpu.memory_space<vmem>> -> memref<4096xf32, #tpu.memory_space<vmem>>
    %dma_start3A_103 = arith.constant 12288 : i32
    %dma_start3A_104 = tpu.memref_slice %arg3[%add3A_12, %dma_start3A_103] : memref<64x16384xf32, #tpu.memory_space<hbm>> -> memref<1x4096xf32, #tpu.memory_space<hbm>>
    %dma_start3A_105 = tpu.memref_squeeze %dma_start3A_104 : memref<1x4096xf32, #tpu.memory_space<hbm>> -> memref<4096xf32, #tpu.memory_space<hbm>>
    tpu.enqueue_dma source(%dma_start3A_105 : memref<4096xf32, #tpu.memory_space<hbm>>) target(%dma_start3A_102 : memref<4096xf32, #tpu.memory_space<vmem>>) target_semaphore(%arg12 : memref<!tpu.dma_semaphore, #tpu.memory_space<semaphore_mem>>)
    %dma_wait3A_106 = arith.constant 0 : i32
    %dma_wait3A_107 = arith.constant 0 : i32
    %dma_wait3A_108 = arith.constant 0 : i32
    %dma_wait3A_109 = tpu.memref_slice %arg8[%dma_wait3A_107, %dma_wait3A_108] : memref<2x4096xf32, #tpu.memory_space<vmem>> -> memref<1x4096xf32, #tpu.memory_space<vmem>>
    %dma_wait3A_110 = tpu.memref_squeeze %dma_wait3A_109 : memref<1x4096xf32, #tpu.memory_space<vmem>> -> memref<4096xf32, #tpu.memory_space<vmem>>
    %dma_wait3A_111 = arith.constant 0 : i32
    %dma_wait3A_112 = tpu.memref_slice %arg3[%dma_wait3A_106, %dma_wait3A_111] : memref<64x16384xf32, #tpu.memory_space<hbm>> -> memref<1x4096xf32, #tpu.memory_space<hbm>>
    %dma_wait3A_113 = tpu.memref_squeeze %dma_wait3A_112 : memref<1x4096xf32, #tpu.memory_space<hbm>> -> memref<4096xf32, #tpu.memory_space<hbm>>
    %dma_wait3A_114 = arith.constant 0 : i32
    %dma_wait3A_115 = tpu.memref_slice %arg8[%dma_wait3A_107, %dma_wait3A_114] : memref<2x4096xf32, #tpu.memory_space<vmem>> -> memref<1x4096xf32, #tpu.memory_space<vmem>>
    %dma_wait3A_116 = tpu.memref_squeeze %dma_wait3A_115 : memref<1x4096xf32, #tpu.memory_space<vmem>> -> memref<4096xf32, #tpu.memory_space<vmem>>
    %dma_wait3A_117 = arith.constant 0 : i32
    %dma_wait3A_118 = tpu.memref_slice %arg3[%dma_wait3A_106, %dma_wait3A_117] : memref<64x16384xf32, #tpu.memory_space<hbm>> -> memref<1x4096xf32, #tpu.memory_space<hbm>>
    %dma_wait3A_119 = tpu.memref_squeeze %dma_wait3A_118 : memref<1x4096xf32, #tpu.memory_space<hbm>> -> memref<4096xf32, #tpu.memory_space<hbm>>
    tpu.wait_dma2 semaphore(%arg11 : memref<!tpu.dma_semaphore, #tpu.memory_space<semaphore_mem>>) src(%dma_wait3A_119 : memref<4096xf32, #tpu.memory_space<hbm>>) dst(%dma_wait3A_116 : memref<4096xf32, #tpu.memory_space<vmem>>)
    %parallel_loop3A_120 = arith.constant 0 : i32
    %parallel_loop3A_121 = arith.constant 256 : i32
    %parallel_loop3A_122 = arith.constant 4 : i32
    %parallel_loop3A_123:4 = scf.for %parallel_loop3A_292 = %parallel_loop3A_120 to %parallel_loop3A_121 step %parallel_loop3A_122 iter_args(%parallel_loop3A_293 = %parallel_loop3A_92#0, %parallel_loop3A_294 = %parallel_loop3A_92#1, %parallel_loop3A_295 = %parallel_loop3A_92#2, %parallel_loop3A_296 = %parallel_loop3A_92#3) -> (vector<16xf32>, vector<16xf32>, vector<16xf32>, vector<16xf32>)  : i32 {
      %parallel_loop3A_297 = arith.constant 0 : i32
      %parallel_loop3A_298 = arith.addi %parallel_loop3A_292, %parallel_loop3A_297 : i32
      %parallel_loop3A_299 = arith.constant 16 : i32
      %parallel_loop3A_300 = arith.muli %parallel_loop3A_298, %parallel_loop3A_299 : i32
      %parallel_loop3A_301 = arith.constant 8192 : i32
      %parallel_loop3A_302 = arith.addi %parallel_loop3A_301, %parallel_loop3A_300 : i32
      %parallel_loop3A_303 = arith.index_cast %parallel_loop3A_302 : i32 to index
      %parallel_loop3A_304 = tpu.vector_load %arg7[%parallel_loop3A_303] {strides = array<i32>} : memref<16384xi32, #tpu.memory_space<vmem>>, vector<16xi32>,
      %parallel_loop3A_305 = arith.constant 0 : i32
      %parallel_loop3A_306 = arith.addi %parallel_loop3A_292, %parallel_loop3A_305 : i32
      %parallel_loop3A_307 = arith.constant 16 : i32
      %parallel_loop3A_308 = arith.muli %parallel_loop3A_306, %parallel_loop3A_307 : i32
      %parallel_loop3A_309 = arith.constant 0 : i32
      %parallel_loop3A_310 = arith.index_cast %parallel_loop3A_309 : i32 to index
      %parallel_loop3A_311 = arith.index_cast %parallel_loop3A_308 : i32 to index
      %parallel_loop3A_312 = tpu.vector_load %arg8[%parallel_loop3A_310, %parallel_loop3A_311] {strides = array<i32>} : memref<2x4096xf32, #tpu.memory_space<vmem>>, vector<16xf32>,
      %parallel_loop3A_313 = tpu.vector_load_idx %arg6[%parallel_loop3A_304] : memref<100000xf32, #tpu.memory_space<vmem>>[vector<16xi32>], vector<16xf32>,
      %parallel_loop3A_314 = arith.subf %parallel_loop3A_312, %parallel_loop3A_313 : vector<16xf32>
      %parallel_loop3A_315 = arith.mulf %parallel_loop3A_314, %parallel_loop3A_314 : vector<16xf32>
      %parallel_loop3A_316 = arith.addf %parallel_loop3A_293, %parallel_loop3A_315 : vector<16xf32>
      %parallel_loop3A_317 = arith.constant 1 : i32
      %parallel_loop3A_318 = arith.addi %parallel_loop3A_292, %parallel_loop3A_317 : i32
      %parallel_loop3A_319 = arith.constant 16 : i32
      %parallel_loop3A_320 = arith.muli %parallel_loop3A_318, %parallel_loop3A_319 : i32
      %parallel_loop3A_321 = arith.constant 8192 : i32
      %parallel_loop3A_322 = arith.addi %parallel_loop3A_321, %parallel_loop3A_320 : i32
      %parallel_loop3A_323 = arith.index_cast %parallel_loop3A_322 : i32 to index
      %parallel_loop3A_324 = tpu.vector_load %arg7[%parallel_loop3A_323] {strides = array<i32>} : memref<16384xi32, #tpu.memory_space<vmem>>, vector<16xi32>,
      %parallel_loop3A_325 = arith.constant 1 : i32
      %parallel_loop3A_326 = arith.addi %parallel_loop3A_292, %parallel_loop3A_325 : i32
      %parallel_loop3A_327 = arith.constant 16 : i32
      %parallel_loop3A_328 = arith.muli %parallel_loop3A_326, %parallel_loop3A_327 : i32
      %parallel_loop3A_329 = arith.constant 0 : i32
      %parallel_loop3A_330 = arith.index_cast %parallel_loop3A_329 : i32 to index
      %parallel_loop3A_331 = arith.index_cast %parallel_loop3A_328 : i32 to index
      %parallel_loop3A_332 = tpu.vector_load %arg8[%parallel_loop3A_330, %parallel_loop3A_331] {strides = array<i32>} : memref<2x4096xf32, #tpu.memory_space<vmem>>, vector<16xf32>,
      %parallel_loop3A_333 = tpu.vector_load_idx %arg6[%parallel_loop3A_324] : memref<100000xf32, #tpu.memory_space<vmem>>[vector<16xi32>], vector<16xf32>,
      %parallel_loop3A_334 = arith.subf %parallel_loop3A_332, %parallel_loop3A_333 : vector<16xf32>
      %parallel_loop3A_335 = arith.mulf %parallel_loop3A_334, %parallel_loop3A_334 : vector<16xf32>
      %parallel_loop3A_336 = arith.addf %parallel_loop3A_294, %parallel_loop3A_335 : vector<16xf32>
      %parallel_loop3A_337 = arith.constant 2 : i32
      %parallel_loop3A_338 = arith.addi %parallel_loop3A_292, %parallel_loop3A_337 : i32
      %parallel_loop3A_339 = arith.constant 16 : i32
      %parallel_loop3A_340 = arith.muli %parallel_loop3A_338, %parallel_loop3A_339 : i32
      %parallel_loop3A_341 = arith.constant 8192 : i32
      %parallel_loop3A_342 = arith.addi %parallel_loop3A_341, %parallel_loop3A_340 : i32
      %parallel_loop3A_343 = arith.index_cast %parallel_loop3A_342 : i32 to index
      %parallel_loop3A_344 = tpu.vector_load %arg7[%parallel_loop3A_343] {strides = array<i32>} : memref<16384xi32, #tpu.memory_space<vmem>>, vector<16xi32>,
      %parallel_loop3A_345 = arith.constant 2 : i32
      %parallel_loop3A_346 = arith.addi %parallel_loop3A_292, %parallel_loop3A_345 : i32
      %parallel_loop3A_347 = arith.constant 16 : i32
      %parallel_loop3A_348 = arith.muli %parallel_loop3A_346, %parallel_loop3A_347 : i32
      %parallel_loop3A_349 = arith.constant 0 : i32
      %parallel_loop3A_350 = arith.index_cast %parallel_loop3A_349 : i32 to index
      %parallel_loop3A_351 = arith.index_cast %parallel_loop3A_348 : i32 to index
      %parallel_loop3A_352 = tpu.vector_load %arg8[%parallel_loop3A_350, %parallel_loop3A_351] {strides = array<i32>} : memref<2x4096xf32, #tpu.memory_space<vmem>>, vector<16xf32>,
      %parallel_loop3A_353 = tpu.vector_load_idx %arg6[%parallel_loop3A_344] : memref<100000xf32, #tpu.memory_space<vmem>>[vector<16xi32>], vector<16xf32>,
      %parallel_loop3A_354 = arith.subf %parallel_loop3A_352, %parallel_loop3A_353 : vector<16xf32>
      %parallel_loop3A_355 = arith.mulf %parallel_loop3A_354, %parallel_loop3A_354 : vector<16xf32>
      %parallel_loop3A_356 = arith.addf %parallel_loop3A_295, %parallel_loop3A_355 : vector<16xf32>
      %parallel_loop3A_357 = arith.constant 3 : i32
      %parallel_loop3A_358 = arith.addi %parallel_loop3A_292, %parallel_loop3A_357 : i32
      %parallel_loop3A_359 = arith.constant 16 : i32
      %parallel_loop3A_360 = arith.muli %parallel_loop3A_358, %parallel_loop3A_359 : i32
      %parallel_loop3A_361 = arith.constant 8192 : i32
      %parallel_loop3A_362 = arith.addi %parallel_loop3A_361, %parallel_loop3A_360 : i32
      %parallel_loop3A_363 = arith.index_cast %parallel_loop3A_362 : i32 to index
      %parallel_loop3A_364 = tpu.vector_load %arg7[%parallel_loop3A_363] {strides = array<i32>} : memref<16384xi32, #tpu.memory_space<vmem>>, vector<16xi32>,
      %parallel_loop3A_365 = arith.constant 3 : i32
      %parallel_loop3A_366 = arith.addi %parallel_loop3A_292, %parallel_loop3A_365 : i32
      %parallel_loop3A_367 = arith.constant 16 : i32
      %parallel_loop3A_368 = arith.muli %parallel_loop3A_366, %parallel_loop3A_367 : i32
      %parallel_loop3A_369 = arith.constant 0 : i32
      %parallel_loop3A_370 = arith.index_cast %parallel_loop3A_369 : i32 to index
      %parallel_loop3A_371 = arith.index_cast %parallel_loop3A_368 : i32 to index
      %parallel_loop3A_372 = tpu.vector_load %arg8[%parallel_loop3A_370, %parallel_loop3A_371] {strides = array<i32>} : memref<2x4096xf32, #tpu.memory_space<vmem>>, vector<16xf32>,
      %parallel_loop3A_373 = tpu.vector_load_idx %arg6[%parallel_loop3A_364] : memref<100000xf32, #tpu.memory_space<vmem>>[vector<16xi32>], vector<16xf32>,
      %parallel_loop3A_374 = arith.subf %parallel_loop3A_372, %parallel_loop3A_373 : vector<16xf32>
      %parallel_loop3A_375 = arith.mulf %parallel_loop3A_374, %parallel_loop3A_374 : vector<16xf32>
      %parallel_loop3A_376 = arith.addf %parallel_loop3A_296, %parallel_loop3A_375 : vector<16xf32>
      scf.yield %parallel_loop3A_316, %parallel_loop3A_336, %parallel_loop3A_356, %parallel_loop3A_376 : vector<16xf32>, vector<16xf32>, vector<16xf32>, vector<16xf32>
    } {sc.loop_unroll_factor = 2 : i64, sc.parallel_access}
    %dma_wait3A_124 = arith.constant 0 : i32
    %dma_wait3A_125 = arith.constant 1 : i32
    %dma_wait3A_126 = arith.constant 0 : i32
    %dma_wait3A_127 = tpu.memref_slice %arg8[%dma_wait3A_125, %dma_wait3A_126] : memref<2x4096xf32, #tpu.memory_space<vmem>> -> memref<1x4096xf32, #tpu.memory_space<vmem>>
    %dma_wait3A_128 = tpu.memref_squeeze %dma_wait3A_127 : memref<1x4096xf32, #tpu.memory_space<vmem>> -> memref<4096xf32, #tpu.memory_space<vmem>>
    %dma_wait3A_129 = arith.constant 0 : i32
    %dma_wait3A_130 = tpu.memref_slice %arg3[%dma_wait3A_124, %dma_wait3A_129] : memref<64x16384xf32, #tpu.memory_space<hbm>> -> memref<1x4096xf32, #tpu.memory_space<hbm>>
    %dma_wait3A_131 = tpu.memref_squeeze %dma_wait3A_130 : memref<1x4096xf32, #tpu.memory_space<hbm>> -> memref<4096xf32, #tpu.memory_space<hbm>>
    %dma_wait3A_132 = arith.constant 0 : i32
    %dma_wait3A_133 = tpu.memref_slice %arg8[%dma_wait3A_125, %dma_wait3A_132] : memref<2x4096xf32, #tpu.memory_space<vmem>> -> memref<1x4096xf32, #tpu.memory_space<vmem>>
    %dma_wait3A_134 = tpu.memref_squeeze %dma_wait3A_133 : memref<1x4096xf32, #tpu.memory_space<vmem>> -> memref<4096xf32, #tpu.memory_space<vmem>>
    %dma_wait3A_135 = arith.constant 0 : i32
    %dma_wait3A_136 = tpu.memref_slice %arg3[%dma_wait3A_124, %dma_wait3A_135] : memref<64x16384xf32, #tpu.memory_space<hbm>> -> memref<1x4096xf32, #tpu.memory_space<hbm>>
    %dma_wait3A_137 = tpu.memref_squeeze %dma_wait3A_136 : memref<1x4096xf32, #tpu.memory_space<hbm>> -> memref<4096xf32, #tpu.memory_space<hbm>>
    tpu.wait_dma2 semaphore(%arg12 : memref<!tpu.dma_semaphore, #tpu.memory_space<semaphore_mem>>) src(%dma_wait3A_137 : memref<4096xf32, #tpu.memory_space<hbm>>) dst(%dma_wait3A_134 : memref<4096xf32, #tpu.memory_space<vmem>>)
    %parallel_loop3A_138 = arith.constant 0 : i32
    %parallel_loop3A_139 = arith.constant 256 : i32
    %parallel_loop3A_140 = arith.constant 4 : i32
    %parallel_loop3A_141:4 = scf.for %parallel_loop3A_292 = %parallel_loop3A_138 to %parallel_loop3A_139 step %parallel_loop3A_140 iter_args(%parallel_loop3A_293 = %parallel_loop3A_123#0, %parallel_loop3A_294 = %parallel_loop3A_123#1, %parallel_loop3A_295 = %parallel_loop3A_123#2, %parallel_loop3A_296 = %parallel_loop3A_123#3) -> (vector<16xf32>, vector<16xf32>, vector<16xf32>, vector<16xf32>)  : i32 {
      %parallel_loop3A_297 = arith.constant 0 : i32
      %parallel_loop3A_298 = arith.addi %parallel_loop3A_292, %parallel_loop3A_297 : i32
      %parallel_loop3A_299 = arith.constant 16 : i32
      %parallel_loop3A_300 = arith.muli %parallel_loop3A_298, %parallel_loop3A_299 : i32
      %parallel_loop3A_301 = arith.constant 12288 : i32
      %parallel_loop3A_302 = arith.addi %parallel_loop3A_301, %parallel_loop3A_300 : i32
      %parallel_loop3A_303 = arith.index_cast %parallel_loop3A_302 : i32 to index
      %parallel_loop3A_304 = tpu.vector_load %arg7[%parallel_loop3A_303] {strides = array<i32>} : memref<16384xi32, #tpu.memory_space<vmem>>, vector<16xi32>,
      %parallel_loop3A_305 = arith.constant 0 : i32
      %parallel_loop3A_306 = arith.addi %parallel_loop3A_292, %parallel_loop3A_305 : i32
      %parallel_loop3A_307 = arith.constant 16 : i32
      %parallel_loop3A_308 = arith.muli %parallel_loop3A_306, %parallel_loop3A_307 : i32
      %parallel_loop3A_309 = arith.constant 1 : i32
      %parallel_loop3A_310 = arith.index_cast %parallel_loop3A_309 : i32 to index
      %parallel_loop3A_311 = arith.index_cast %parallel_loop3A_308 : i32 to index
      %parallel_loop3A_312 = tpu.vector_load %arg8[%parallel_loop3A_310, %parallel_loop3A_311] {strides = array<i32>} : memref<2x4096xf32, #tpu.memory_space<vmem>>, vector<16xf32>,
      %parallel_loop3A_313 = tpu.vector_load_idx %arg6[%parallel_loop3A_304] : memref<100000xf32, #tpu.memory_space<vmem>>[vector<16xi32>], vector<16xf32>,
      %parallel_loop3A_314 = arith.subf %parallel_loop3A_312, %parallel_loop3A_313 : vector<16xf32>
      %parallel_loop3A_315 = arith.mulf %parallel_loop3A_314, %parallel_loop3A_314 : vector<16xf32>
      %parallel_loop3A_316 = arith.addf %parallel_loop3A_293, %parallel_loop3A_315 : vector<16xf32>
      %parallel_loop3A_317 = arith.constant 1 : i32
      %parallel_loop3A_318 = arith.addi %parallel_loop3A_292, %parallel_loop3A_317 : i32
      %parallel_loop3A_319 = arith.constant 16 : i32
      %parallel_loop3A_320 = arith.muli %parallel_loop3A_318, %parallel_loop3A_319 : i32
      %parallel_loop3A_321 = arith.constant 12288 : i32
      %parallel_loop3A_322 = arith.addi %parallel_loop3A_321, %parallel_loop3A_320 : i32
      %parallel_loop3A_323 = arith.index_cast %parallel_loop3A_322 : i32 to index
      %parallel_loop3A_324 = tpu.vector_load %arg7[%parallel_loop3A_323] {strides = array<i32>} : memref<16384xi32, #tpu.memory_space<vmem>>, vector<16xi32>,
      %parallel_loop3A_325 = arith.constant 1 : i32
      %parallel_loop3A_326 = arith.addi %parallel_loop3A_292, %parallel_loop3A_325 : i32
      %parallel_loop3A_327 = arith.constant 16 : i32
      %parallel_loop3A_328 = arith.muli %parallel_loop3A_326, %parallel_loop3A_327 : i32
      %parallel_loop3A_329 = arith.constant 1 : i32
      %parallel_loop3A_330 = arith.index_cast %parallel_loop3A_329 : i32 to index
      %parallel_loop3A_331 = arith.index_cast %parallel_loop3A_328 : i32 to index
      %parallel_loop3A_332 = tpu.vector_load %arg8[%parallel_loop3A_330, %parallel_loop3A_331] {strides = array<i32>} : memref<2x4096xf32, #tpu.memory_space<vmem>>, vector<16xf32>,
      %parallel_loop3A_333 = tpu.vector_load_idx %arg6[%parallel_loop3A_324] : memref<100000xf32, #tpu.memory_space<vmem>>[vector<16xi32>], vector<16xf32>,
      %parallel_loop3A_334 = arith.subf %parallel_loop3A_332, %parallel_loop3A_333 : vector<16xf32>
      %parallel_loop3A_335 = arith.mulf %parallel_loop3A_334, %parallel_loop3A_334 : vector<16xf32>
      %parallel_loop3A_336 = arith.addf %parallel_loop3A_294, %parallel_loop3A_335 : vector<16xf32>
      %parallel_loop3A_337 = arith.constant 2 : i32
      %parallel_loop3A_338 = arith.addi %parallel_loop3A_292, %parallel_loop3A_337 : i32
      %parallel_loop3A_339 = arith.constant 16 : i32
      %parallel_loop3A_340 = arith.muli %parallel_loop3A_338, %parallel_loop3A_339 : i32
      %parallel_loop3A_341 = arith.constant 12288 : i32
      %parallel_loop3A_342 = arith.addi %parallel_loop3A_341, %parallel_loop3A_340 : i32
      %parallel_loop3A_343 = arith.index_cast %parallel_loop3A_342 : i32 to index
      %parallel_loop3A_344 = tpu.vector_load %arg7[%parallel_loop3A_343] {strides = array<i32>} : memref<16384xi32, #tpu.memory_space<vmem>>, vector<16xi32>,
      %parallel_loop3A_345 = arith.constant 2 : i32
      %parallel_loop3A_346 = arith.addi %parallel_loop3A_292, %parallel_loop3A_345 : i32
      %parallel_loop3A_347 = arith.constant 16 : i32
      %parallel_loop3A_348 = arith.muli %parallel_loop3A_346, %parallel_loop3A_347 : i32
      %parallel_loop3A_349 = arith.constant 1 : i32
      %parallel_loop3A_350 = arith.index_cast %parallel_loop3A_349 : i32 to index
      %parallel_loop3A_351 = arith.index_cast %parallel_loop3A_348 : i32 to index
      %parallel_loop3A_352 = tpu.vector_load %arg8[%parallel_loop3A_350, %parallel_loop3A_351] {strides = array<i32>} : memref<2x4096xf32, #tpu.memory_space<vmem>>, vector<16xf32>,
      %parallel_loop3A_353 = tpu.vector_load_idx %arg6[%parallel_loop3A_344] : memref<100000xf32, #tpu.memory_space<vmem>>[vector<16xi32>], vector<16xf32>,
      %parallel_loop3A_354 = arith.subf %parallel_loop3A_352, %parallel_loop3A_353 : vector<16xf32>
      %parallel_loop3A_355 = arith.mulf %parallel_loop3A_354, %parallel_loop3A_354 : vector<16xf32>
      %parallel_loop3A_356 = arith.addf %parallel_loop3A_295, %parallel_loop3A_355 : vector<16xf32>
      %parallel_loop3A_357 = arith.constant 3 : i32
      %parallel_loop3A_358 = arith.addi %parallel_loop3A_292, %parallel_loop3A_357 : i32
      %parallel_loop3A_359 = arith.constant 16 : i32
      %parallel_loop3A_360 = arith.muli %parallel_loop3A_358, %parallel_loop3A_359 : i32
      %parallel_loop3A_361 = arith.constant 12288 : i32
      %parallel_loop3A_362 = arith.addi %parallel_loop3A_361, %parallel_loop3A_360 : i32
      %parallel_loop3A_363 = arith.index_cast %parallel_loop3A_362 : i32 to index
      %parallel_loop3A_364 = tpu.vector_load %arg7[%parallel_loop3A_363] {strides = array<i32>} : memref<16384xi32, #tpu.memory_space<vmem>>, vector<16xi32>,
      %parallel_loop3A_365 = arith.constant 3 : i32
      %parallel_loop3A_366 = arith.addi %parallel_loop3A_292, %parallel_loop3A_365 : i32
      %parallel_loop3A_367 = arith.constant 16 : i32
      %parallel_loop3A_368 = arith.muli %parallel_loop3A_366, %parallel_loop3A_367 : i32
      %parallel_loop3A_369 = arith.constant 1 : i32
      %parallel_loop3A_370 = arith.index_cast %parallel_loop3A_369 : i32 to index
      %parallel_loop3A_371 = arith.index_cast %parallel_loop3A_368 : i32 to index
      %parallel_loop3A_372 = tpu.vector_load %arg8[%parallel_loop3A_370, %parallel_loop3A_371] {strides = array<i32>} : memref<2x4096xf32, #tpu.memory_space<vmem>>, vector<16xf32>,
      %parallel_loop3A_373 = tpu.vector_load_idx %arg6[%parallel_loop3A_364] : memref<100000xf32, #tpu.memory_space<vmem>>[vector<16xi32>], vector<16xf32>,
      %parallel_loop3A_374 = arith.subf %parallel_loop3A_372, %parallel_loop3A_373 : vector<16xf32>
      %parallel_loop3A_375 = arith.mulf %parallel_loop3A_374, %parallel_loop3A_374 : vector<16xf32>
      %parallel_loop3A_376 = arith.addf %parallel_loop3A_296, %parallel_loop3A_375 : vector<16xf32>
      scf.yield %parallel_loop3A_316, %parallel_loop3A_336, %parallel_loop3A_356, %parallel_loop3A_376 : vector<16xf32>, vector<16xf32>, vector<16xf32>, vector<16xf32>
    } {sc.loop_unroll_factor = 2 : i64, sc.parallel_access}
    %add3A_142 = arith.constant 1 : i32
    %add3A_143 = arith.addi %add3A_12, %add3A_142 : i32
    %dma_start3A_144 = arith.constant 0 : i32
    %dma_start3A_145 = tpu.memref_slice %arg4[%add3A_143, %dma_start3A_144] : memref<64x100000xf32, #tpu.memory_space<hbm>> -> memref<1x100000xf32, #tpu.memory_space<hbm>>
    %dma_start3A_146 = tpu.memref_squeeze %dma_start3A_145 : memref<1x100000xf32, #tpu.memory_space<hbm>> -> memref<100000xf32, #tpu.memory_space<hbm>>
    %dma_start3A_147 = arith.constant 0 : i32
    %dma_start3A_148 = tpu.memref_slice %arg4[%add3A_143, %dma_start3A_147] : memref<64x100000xf32, #tpu.memory_space<hbm>> -> memref<1x100000xf32, #tpu.memory_space<hbm>>
    %dma_start3A_149 = tpu.memref_squeeze %dma_start3A_148 : memref<1x100000xf32, #tpu.memory_space<hbm>> -> memref<100000xf32, #tpu.memory_space<hbm>>
    tpu.enqueue_dma source(%dma_start3A_149 : memref<100000xf32, #tpu.memory_space<hbm>>) target(%arg6 : memref<100000xf32, #tpu.memory_space<vmem>>) target_semaphore(%arg10 : memref<!tpu.dma_semaphore, #tpu.memory_space<semaphore_mem>>)
    %mul3A_150 = arith.constant 2 : i32
    %mul3A_151 = arith.muli %add3A, %mul3A_150 : i32
    %add3A_152 = arith.constant 1 : i32
    %add3A_153 = arith.addi %mul3A_151, %add3A_152 : i32
    %dma_start3A_154 = arith.constant 0 : i32
    %dma_start3A_155 = arith.constant 0 : i32
    %dma_start3A_156 = tpu.memref_slice %arg8[%dma_start3A_154, %dma_start3A_155] : memref<2x4096xf32, #tpu.memory_space<vmem>> -> memref<1x4096xf32, #tpu.memory_space<vmem>>
    %dma_start3A_157 = tpu.memref_squeeze %dma_start3A_156 : memref<1x4096xf32, #tpu.memory_space<vmem>> -> memref<4096xf32, #tpu.memory_space<vmem>>
    %dma_start3A_158 = arith.constant 0 : i32
    %dma_start3A_159 = tpu.memref_slice %arg3[%add3A_153, %dma_start3A_158] : memref<64x16384xf32, #tpu.memory_space<hbm>> -> memref<1x4096xf32, #tpu.memory_space<hbm>>
    %dma_start3A_160 = tpu.memref_squeeze %dma_start3A_159 : memref<1x4096xf32, #tpu.memory_space<hbm>> -> memref<4096xf32, #tpu.memory_space<hbm>>
    %dma_start3A_161 = arith.constant 0 : i32
    %dma_start3A_162 = tpu.memref_slice %arg8[%dma_start3A_154, %dma_start3A_161] : memref<2x4096xf32, #tpu.memory_space<vmem>> -> memref<1x4096xf32, #tpu.memory_space<vmem>>
    %dma_start3A_163 = tpu.memref_squeeze %dma_start3A_162 : memref<1x4096xf32, #tpu.memory_space<vmem>> -> memref<4096xf32, #tpu.memory_space<vmem>>
    %dma_start3A_164 = arith.constant 0 : i32
    %dma_start3A_165 = tpu.memref_slice %arg3[%add3A_153, %dma_start3A_164] : memref<64x16384xf32, #tpu.memory_space<hbm>> -> memref<1x4096xf32, #tpu.memory_space<hbm>>
    %dma_start3A_166 = tpu.memref_squeeze %dma_start3A_165 : memref<1x4096xf32, #tpu.memory_space<hbm>> -> memref<4096xf32, #tpu.memory_space<hbm>>
    tpu.enqueue_dma source(%dma_start3A_166 : memref<4096xf32, #tpu.memory_space<hbm>>) target(%dma_start3A_163 : memref<4096xf32, #tpu.memory_space<vmem>>) target_semaphore(%arg11 : memref<!tpu.dma_semaphore, #tpu.memory_space<semaphore_mem>>)
    %dma_wait3A_167 = arith.constant 0 : i32
    %dma_wait3A_168 = arith.constant 0 : i32
    %dma_wait3A_169 = tpu.memref_slice %arg4[%dma_wait3A_167, %dma_wait3A_168] : memref<64x100000xf32, #tpu.memory_space<hbm>> -> memref<1x100000xf32, #tpu.memory_space<hbm>>
    %dma_wait3A_170 = tpu.memref_squeeze %dma_wait3A_169 : memref<1x100000xf32, #tpu.memory_space<hbm>> -> memref<100000xf32, #tpu.memory_space<hbm>>
    %dma_wait3A_171 = arith.constant 0 : i32
    %dma_wait3A_172 = tpu.memref_slice %arg4[%dma_wait3A_167, %dma_wait3A_171] : memref<64x100000xf32, #tpu.memory_space<hbm>> -> memref<1x100000xf32, #tpu.memory_space<hbm>>
    %dma_wait3A_173 = tpu.memref_squeeze %dma_wait3A_172 : memref<1x100000xf32, #tpu.memory_space<hbm>> -> memref<100000xf32, #tpu.memory_space<hbm>>
    tpu.wait_dma2 semaphore(%arg10 : memref<!tpu.dma_semaphore, #tpu.memory_space<semaphore_mem>>) src(%dma_wait3A_173 : memref<100000xf32, #tpu.memory_space<hbm>>) dst(%arg6 : memref<100000xf32, #tpu.memory_space<vmem>>)
    %dma_start3A_174 = arith.constant 1 : i32
    %dma_start3A_175 = arith.constant 0 : i32
    %dma_start3A_176 = tpu.memref_slice %arg8[%dma_start3A_174, %dma_start3A_175] : memref<2x4096xf32, #tpu.memory_space<vmem>> -> memref<1x4096xf32, #tpu.memory_space<vmem>>
    %dma_start3A_177 = tpu.memref_squeeze %dma_start3A_176 : memref<1x4096xf32, #tpu.memory_space<vmem>> -> memref<4096xf32, #tpu.memory_space<vmem>>
    %dma_start3A_178 = arith.constant 4096 : i32
    %dma_start3A_179 = tpu.memref_slice %arg3[%add3A_153, %dma_start3A_178] : memref<64x16384xf32, #tpu.memory_space<hbm>> -> memref<1x4096xf32, #tpu.memory_space<hbm>>
    %dma_start3A_180 = tpu.memref_squeeze %dma_start3A_179 : memref<1x4096xf32, #tpu.memory_space<hbm>> -> memref<4096xf32, #tpu.memory_space<hbm>>
    %dma_start3A_181 = arith.constant 0 : i32
    %dma_start3A_182 = tpu.memref_slice %arg8[%dma_start3A_174, %dma_start3A_181] : memref<2x4096xf32, #tpu.memory_space<vmem>> -> memref<1x4096xf32, #tpu.memory_space<vmem>>
    %dma_start3A_183 = tpu.memref_squeeze %dma_start3A_182 : memref<1x4096xf32, #tpu.memory_space<vmem>> -> memref<4096xf32, #tpu.memory_space<vmem>>
    %dma_start3A_184 = arith.constant 4096 : i32
    %dma_start3A_185 = tpu.memref_slice %arg3[%add3A_153, %dma_start3A_184] : memref<64x16384xf32, #tpu.memory_space<hbm>> -> memref<1x4096xf32, #tpu.memory_space<hbm>>
    %dma_start3A_186 = tpu.memref_squeeze %dma_start3A_185 : memref<1x4096xf32, #tpu.memory_space<hbm>> -> memref<4096xf32, #tpu.memory_space<hbm>>
    tpu.enqueue_dma source(%dma_start3A_186 : memref<4096xf32, #tpu.memory_space<hbm>>) target(%dma_start3A_183 : memref<4096xf32, #tpu.memory_space<vmem>>) target_semaphore(%arg12 : memref<!tpu.dma_semaphore, #tpu.memory_space<semaphore_mem>>)
    %dma_wait3A_187 = arith.constant 0 : i32
    %dma_wait3A_188 = arith.constant 0 : i32
    %dma_wait3A_189 = arith.constant 0 : i32
    %dma_wait3A_190 = tpu.memref_slice %arg8[%dma_wait3A_188, %dma_wait3A_189] : memref<2x4096xf32, #tpu.memory_space<vmem>> -> memref<1x4096xf32, #tpu.memory_space<vmem>>
    %dma_wait3A_191 = tpu.memref_squeeze %dma_wait3A_190 : memref<1x4096xf32, #tpu.memory_space<vmem>> -> memref<4096xf32, #tpu.memory_space<vmem>>
    %dma_wait3A_192 = arith.constant 0 : i32
    %dma_wait3A_193 = tpu.memref_slice %arg3[%dma_wait3A_187, %dma_wait3A_192] : memref<64x16384xf32, #tpu.memory_space<hbm>> -> memref<1x4096xf32, #tpu.memory_space<hbm>>
    %dma_wait3A_194 = tpu.memref_squeeze %dma_wait3A_193 : memref<1x4096xf32, #tpu.memory_space<hbm>> -> memref<4096xf32, #tpu.memory_space<hbm>>
    %dma_wait3A_195 = arith.constant 0 : i32
    %dma_wait3A_196 = tpu.memref_slice %arg8[%dma_wait3A_188, %dma_wait3A_195] : memref<2x4096xf32, #tpu.memory_space<vmem>> -> memref<1x4096xf32, #tpu.memory_space<vmem>>
    %dma_wait3A_197 = tpu.memref_squeeze %dma_wait3A_196 : memref<1x4096xf32, #tpu.memory_space<vmem>> -> memref<4096xf32, #tpu.memory_space<vmem>>
    %dma_wait3A_198 = arith.constant 0 : i32
    %dma_wait3A_199 = tpu.memref_slice %arg3[%dma_wait3A_187, %dma_wait3A_198] : memref<64x16384xf32, #tpu.memory_space<hbm>> -> memref<1x4096xf32, #tpu.memory_space<hbm>>
    %dma_wait3A_200 = tpu.memref_squeeze %dma_wait3A_199 : memref<1x4096xf32, #tpu.memory_space<hbm>> -> memref<4096xf32, #tpu.memory_space<hbm>>
    tpu.wait_dma2 semaphore(%arg11 : memref<!tpu.dma_semaphore, #tpu.memory_space<semaphore_mem>>) src(%dma_wait3A_200 : memref<4096xf32, #tpu.memory_space<hbm>>) dst(%dma_wait3A_197 : memref<4096xf32, #tpu.memory_space<vmem>>)
    %parallel_loop3A_201 = arith.constant 0 : i32
    %parallel_loop3A_202 = arith.constant 256 : i32
    %parallel_loop3A_203 = arith.constant 4 : i32
    %parallel_loop3A_204:4 = scf.for %parallel_loop3A_292 = %parallel_loop3A_201 to %parallel_loop3A_202 step %parallel_loop3A_203 iter_args(%parallel_loop3A_293 = %parallel_loop3A_141#0, %parallel_loop3A_294 = %parallel_loop3A_141#1, %parallel_loop3A_295 = %parallel_loop3A_141#2, %parallel_loop3A_296 = %parallel_loop3A_141#3) -> (vector<16xf32>, vector<16xf32>, vector<16xf32>, vector<16xf32>)  : i32 {
      %parallel_loop3A_297 = arith.constant 0 : i32
      %parallel_loop3A_298 = arith.addi %parallel_loop3A_292, %parallel_loop3A_297 : i32
      %parallel_loop3A_299 = arith.constant 16 : i32
      %parallel_loop3A_300 = arith.muli %parallel_loop3A_298, %parallel_loop3A_299 : i32
      %parallel_loop3A_301 = arith.constant 0 : i32
      %parallel_loop3A_302 = arith.addi %parallel_loop3A_301, %parallel_loop3A_300 : i32
      %parallel_loop3A_303 = arith.index_cast %parallel_loop3A_302 : i32 to index
      %parallel_loop3A_304 = tpu.vector_load %arg7[%parallel_loop3A_303] {strides = array<i32>} : memref<16384xi32, #tpu.memory_space<vmem>>, vector<16xi32>,
      %parallel_loop3A_305 = arith.constant 0 : i32
      %parallel_loop3A_306 = arith.addi %parallel_loop3A_292, %parallel_loop3A_305 : i32
      %parallel_loop3A_307 = arith.constant 16 : i32
      %parallel_loop3A_308 = arith.muli %parallel_loop3A_306, %parallel_loop3A_307 : i32
      %parallel_loop3A_309 = arith.constant 0 : i32
      %parallel_loop3A_310 = arith.index_cast %parallel_loop3A_309 : i32 to index
      %parallel_loop3A_311 = arith.index_cast %parallel_loop3A_308 : i32 to index
      %parallel_loop3A_312 = tpu.vector_load %arg8[%parallel_loop3A_310, %parallel_loop3A_311] {strides = array<i32>} : memref<2x4096xf32, #tpu.memory_space<vmem>>, vector<16xf32>,
      %parallel_loop3A_313 = tpu.vector_load_idx %arg6[%parallel_loop3A_304] : memref<100000xf32, #tpu.memory_space<vmem>>[vector<16xi32>], vector<16xf32>,
      %parallel_loop3A_314 = arith.subf %parallel_loop3A_312, %parallel_loop3A_313 : vector<16xf32>
      %parallel_loop3A_315 = arith.mulf %parallel_loop3A_314, %parallel_loop3A_314 : vector<16xf32>
      %parallel_loop3A_316 = arith.addf %parallel_loop3A_293, %parallel_loop3A_315 : vector<16xf32>
      %parallel_loop3A_317 = arith.constant 1 : i32
      %parallel_loop3A_318 = arith.addi %parallel_loop3A_292, %parallel_loop3A_317 : i32
      %parallel_loop3A_319 = arith.constant 16 : i32
      %parallel_loop3A_320 = arith.muli %parallel_loop3A_318, %parallel_loop3A_319 : i32
      %parallel_loop3A_321 = arith.constant 0 : i32
      %parallel_loop3A_322 = arith.addi %parallel_loop3A_321, %parallel_loop3A_320 : i32
      %parallel_loop3A_323 = arith.index_cast %parallel_loop3A_322 : i32 to index
      %parallel_loop3A_324 = tpu.vector_load %arg7[%parallel_loop3A_323] {strides = array<i32>} : memref<16384xi32, #tpu.memory_space<vmem>>, vector<16xi32>,
      %parallel_loop3A_325 = arith.constant 1 : i32
      %parallel_loop3A_326 = arith.addi %parallel_loop3A_292, %parallel_loop3A_325 : i32
      %parallel_loop3A_327 = arith.constant 16 : i32
      %parallel_loop3A_328 = arith.muli %parallel_loop3A_326, %parallel_loop3A_327 : i32
      %parallel_loop3A_329 = arith.constant 0 : i32
      %parallel_loop3A_330 = arith.index_cast %parallel_loop3A_329 : i32 to index
      %parallel_loop3A_331 = arith.index_cast %parallel_loop3A_328 : i32 to index
      %parallel_loop3A_332 = tpu.vector_load %arg8[%parallel_loop3A_330, %parallel_loop3A_331] {strides = array<i32>} : memref<2x4096xf32, #tpu.memory_space<vmem>>, vector<16xf32>,
      %parallel_loop3A_333 = tpu.vector_load_idx %arg6[%parallel_loop3A_324] : memref<100000xf32, #tpu.memory_space<vmem>>[vector<16xi32>], vector<16xf32>,
      %parallel_loop3A_334 = arith.subf %parallel_loop3A_332, %parallel_loop3A_333 : vector<16xf32>
      %parallel_loop3A_335 = arith.mulf %parallel_loop3A_334, %parallel_loop3A_334 : vector<16xf32>
      %parallel_loop3A_336 = arith.addf %parallel_loop3A_294, %parallel_loop3A_335 : vector<16xf32>
      %parallel_loop3A_337 = arith.constant 2 : i32
      %parallel_loop3A_338 = arith.addi %parallel_loop3A_292, %parallel_loop3A_337 : i32
      %parallel_loop3A_339 = arith.constant 16 : i32
      %parallel_loop3A_340 = arith.muli %parallel_loop3A_338, %parallel_loop3A_339 : i32
      %parallel_loop3A_341 = arith.constant 0 : i32
      %parallel_loop3A_342 = arith.addi %parallel_loop3A_341, %parallel_loop3A_340 : i32
      %parallel_loop3A_343 = arith.index_cast %parallel_loop3A_342 : i32 to index
      %parallel_loop3A_344 = tpu.vector_load %arg7[%parallel_loop3A_343] {strides = array<i32>} : memref<16384xi32, #tpu.memory_space<vmem>>, vector<16xi32>,
      %parallel_loop3A_345 = arith.constant 2 : i32
      %parallel_loop3A_346 = arith.addi %parallel_loop3A_292, %parallel_loop3A_345 : i32
      %parallel_loop3A_347 = arith.constant 16 : i32
      %parallel_loop3A_348 = arith.muli %parallel_loop3A_346, %parallel_loop3A_347 : i32
      %parallel_loop3A_349 = arith.constant 0 : i32
      %parallel_loop3A_350 = arith.index_cast %parallel_loop3A_349 : i32 to index
      %parallel_loop3A_351 = arith.index_cast %parallel_loop3A_348 : i32 to index
      %parallel_loop3A_352 = tpu.vector_load %arg8[%parallel_loop3A_350, %parallel_loop3A_351] {strides = array<i32>} : memref<2x4096xf32, #tpu.memory_space<vmem>>, vector<16xf32>,
      %parallel_loop3A_353 = tpu.vector_load_idx %arg6[%parallel_loop3A_344] : memref<100000xf32, #tpu.memory_space<vmem>>[vector<16xi32>], vector<16xf32>,
      %parallel_loop3A_354 = arith.subf %parallel_loop3A_352, %parallel_loop3A_353 : vector<16xf32>
      %parallel_loop3A_355 = arith.mulf %parallel_loop3A_354, %parallel_loop3A_354 : vector<16xf32>
      %parallel_loop3A_356 = arith.addf %parallel_loop3A_295, %parallel_loop3A_355 : vector<16xf32>
      %parallel_loop3A_357 = arith.constant 3 : i32
      %parallel_loop3A_358 = arith.addi %parallel_loop3A_292, %parallel_loop3A_357 : i32
      %parallel_loop3A_359 = arith.constant 16 : i32
      %parallel_loop3A_360 = arith.muli %parallel_loop3A_358, %parallel_loop3A_359 : i32
      %parallel_loop3A_361 = arith.constant 0 : i32
      %parallel_loop3A_362 = arith.addi %parallel_loop3A_361, %parallel_loop3A_360 : i32
      %parallel_loop3A_363 = arith.index_cast %parallel_loop3A_362 : i32 to index
      %parallel_loop3A_364 = tpu.vector_load %arg7[%parallel_loop3A_363] {strides = array<i32>} : memref<16384xi32, #tpu.memory_space<vmem>>, vector<16xi32>,
      %parallel_loop3A_365 = arith.constant 3 : i32
      %parallel_loop3A_366 = arith.addi %parallel_loop3A_292, %parallel_loop3A_365 : i32
      %parallel_loop3A_367 = arith.constant 16 : i32
      %parallel_loop3A_368 = arith.muli %parallel_loop3A_366, %parallel_loop3A_367 : i32
      %parallel_loop3A_369 = arith.constant 0 : i32
      %parallel_loop3A_370 = arith.index_cast %parallel_loop3A_369 : i32 to index
      %parallel_loop3A_371 = arith.index_cast %parallel_loop3A_368 : i32 to index
      %parallel_loop3A_372 = tpu.vector_load %arg8[%parallel_loop3A_370, %parallel_loop3A_371] {strides = array<i32>} : memref<2x4096xf32, #tpu.memory_space<vmem>>, vector<16xf32>,
      %parallel_loop3A_373 = tpu.vector_load_idx %arg6[%parallel_loop3A_364] : memref<100000xf32, #tpu.memory_space<vmem>>[vector<16xi32>], vector<16xf32>,
      %parallel_loop3A_374 = arith.subf %parallel_loop3A_372, %parallel_loop3A_373 : vector<16xf32>
      %parallel_loop3A_375 = arith.mulf %parallel_loop3A_374, %parallel_loop3A_374 : vector<16xf32>
      %parallel_loop3A_376 = arith.addf %parallel_loop3A_296, %parallel_loop3A_375 : vector<16xf32>
      scf.yield %parallel_loop3A_316, %parallel_loop3A_336, %parallel_loop3A_356, %parallel_loop3A_376 : vector<16xf32>, vector<16xf32>, vector<16xf32>, vector<16xf32>
    } {sc.loop_unroll_factor = 2 : i64, sc.parallel_access}
    %dma_start3A_205 = arith.constant 0 : i32
    %dma_start3A_206 = arith.constant 0 : i32
    %dma_start3A_207 = tpu.memref_slice %arg8[%dma_start3A_205, %dma_start3A_206] : memref<2x4096xf32, #tpu.memory_space<vmem>> -> memref<1x4096xf32, #tpu.memory_space<vmem>>
    %dma_start3A_208 = tpu.memref_squeeze %dma_start3A_207 : memref<1x4096xf32, #tpu.memory_space<vmem>> -> memref<4096xf32, #tpu.memory_space<vmem>>
    %dma_start3A_209 = arith.constant 8192 : i32
    %dma_start3A_210 = tpu.memref_slice %arg3[%add3A_153, %dma_start3A_209] : memref<64x16384xf32, #tpu.memory_space<hbm>> -> memref<1x4096xf32, #tpu.memory_space<hbm>>
    %dma_start3A_211 = tpu.memref_squeeze %dma_start3A_210 : memref<1x4096xf32, #tpu.memory_space<hbm>> -> memref<4096xf32, #tpu.memory_space<hbm>>
    %dma_start3A_212 = arith.constant 0 : i32
    %dma_start3A_213 = tpu.memref_slice %arg8[%dma_start3A_205, %dma_start3A_212] : memref<2x4096xf32, #tpu.memory_space<vmem>> -> memref<1x4096xf32, #tpu.memory_space<vmem>>
    %dma_start3A_214 = tpu.memref_squeeze %dma_start3A_213 : memref<1x4096xf32, #tpu.memory_space<vmem>> -> memref<4096xf32, #tpu.memory_space<vmem>>
    %dma_start3A_215 = arith.constant 8192 : i32
    %dma_start3A_216 = tpu.memref_slice %arg3[%add3A_153, %dma_start3A_215] : memref<64x16384xf32, #tpu.memory_space<hbm>> -> memref<1x4096xf32, #tpu.memory_space<hbm>>
    %dma_start3A_217 = tpu.memref_squeeze %dma_start3A_216 : memref<1x4096xf32, #tpu.memory_space<hbm>> -> memref<4096xf32, #tpu.memory_space<hbm>>
    tpu.enqueue_dma source(%dma_start3A_217 : memref<4096xf32, #tpu.memory_space<hbm>>) target(%dma_start3A_214 : memref<4096xf32, #tpu.memory_space<vmem>>) target_semaphore(%arg11 : memref<!tpu.dma_semaphore, #tpu.memory_space<semaphore_mem>>)
    %dma_wait3A_218 = arith.constant 0 : i32
    %dma_wait3A_219 = arith.constant 1 : i32
    %dma_wait3A_220 = arith.constant 0 : i32
    %dma_wait3A_221 = tpu.memref_slice %arg8[%dma_wait3A_219, %dma_wait3A_220] : memref<2x4096xf32, #tpu.memory_space<vmem>> -> memref<1x4096xf32, #tpu.memory_space<vmem>>
    %dma_wait3A_222 = tpu.memref_squeeze %dma_wait3A_221 : memref<1x4096xf32, #tpu.memory_space<vmem>> -> memref<4096xf32, #tpu.memory_space<vmem>>
    %dma_wait3A_223 = arith.constant 0 : i32
    %dma_wait3A_224 = tpu.memref_slice %arg3[%dma_wait3A_218, %dma_wait3A_223] : memref<64x16384xf32, #tpu.memory_space<hbm>> -> memref<1x4096xf32, #tpu.memory_space<hbm>>
    %dma_wait3A_225 = tpu.memref_squeeze %dma_wait3A_224 : memref<1x4096xf32, #tpu.memory_space<hbm>> -> memref<4096xf32, #tpu.memory_space<hbm>>
    %dma_wait3A_226 = arith.constant 0 : i32
    %dma_wait3A_227 = tpu.memref_slice %arg8[%dma_wait3A_219, %dma_wait3A_226] : memref<2x4096xf32, #tpu.memory_space<vmem>> -> memref<1x4096xf32, #tpu.memory_space<vmem>>
    %dma_wait3A_228 = tpu.memref_squeeze %dma_wait3A_227 : memref<1x4096xf32, #tpu.memory_space<vmem>> -> memref<4096xf32, #tpu.memory_space<vmem>>
    %dma_wait3A_229 = arith.constant 0 : i32
    %dma_wait3A_230 = tpu.memref_slice %arg3[%dma_wait3A_218, %dma_wait3A_229] : memref<64x16384xf32, #tpu.memory_space<hbm>> -> memref<1x4096xf32, #tpu.memory_space<hbm>>
    %dma_wait3A_231 = tpu.memref_squeeze %dma_wait3A_230 : memref<1x4096xf32, #tpu.memory_space<hbm>> -> memref<4096xf32, #tpu.memory_space<hbm>>
    tpu.wait_dma2 semaphore(%arg12 : memref<!tpu.dma_semaphore, #tpu.memory_space<semaphore_mem>>) src(%dma_wait3A_231 : memref<4096xf32, #tpu.memory_space<hbm>>) dst(%dma_wait3A_228 : memref<4096xf32, #tpu.memory_space<vmem>>)
    %parallel_loop3A_232 = arith.constant 0 : i32
    %parallel_loop3A_233 = arith.constant 256 : i32
    %parallel_loop3A_234 = arith.constant 4 : i32
    %parallel_loop3A_235:4 = scf.for %parallel_loop3A_292 = %parallel_loop3A_232 to %parallel_loop3A_233 step %parallel_loop3A_234 iter_args(%parallel_loop3A_293 = %parallel_loop3A_204#0, %parallel_loop3A_294 = %parallel_loop3A_204#1, %parallel_loop3A_295 = %parallel_loop3A_204#2, %parallel_loop3A_296 = %parallel_loop3A_204#3) -> (vector<16xf32>, vector<16xf32>, vector<16xf32>, vector<16xf32>)  : i32 {
      %parallel_loop3A_297 = arith.constant 0 : i32
      %parallel_loop3A_298 = arith.addi %parallel_loop3A_292, %parallel_loop3A_297 : i32
      %parallel_loop3A_299 = arith.constant 16 : i32
      %parallel_loop3A_300 = arith.muli %parallel_loop3A_298, %parallel_loop3A_299 : i32
      %parallel_loop3A_301 = arith.constant 4096 : i32
      %parallel_loop3A_302 = arith.addi %parallel_loop3A_301, %parallel_loop3A_300 : i32
      %parallel_loop3A_303 = arith.index_cast %parallel_loop3A_302 : i32 to index
      %parallel_loop3A_304 = tpu.vector_load %arg7[%parallel_loop3A_303] {strides = array<i32>} : memref<16384xi32, #tpu.memory_space<vmem>>, vector<16xi32>,
      %parallel_loop3A_305 = arith.constant 0 : i32
      %parallel_loop3A_306 = arith.addi %parallel_loop3A_292, %parallel_loop3A_305 : i32
      %parallel_loop3A_307 = arith.constant 16 : i32
      %parallel_loop3A_308 = arith.muli %parallel_loop3A_306, %parallel_loop3A_307 : i32
      %parallel_loop3A_309 = arith.constant 1 : i32
      %parallel_loop3A_310 = arith.index_cast %parallel_loop3A_309 : i32 to index
      %parallel_loop3A_311 = arith.index_cast %parallel_loop3A_308 : i32 to index
      %parallel_loop3A_312 = tpu.vector_load %arg8[%parallel_loop3A_310, %parallel_loop3A_311] {strides = array<i32>} : memref<2x4096xf32, #tpu.memory_space<vmem>>, vector<16xf32>,
      %parallel_loop3A_313 = tpu.vector_load_idx %arg6[%parallel_loop3A_304] : memref<100000xf32, #tpu.memory_space<vmem>>[vector<16xi32>], vector<16xf32>,
      %parallel_loop3A_314 = arith.subf %parallel_loop3A_312, %parallel_loop3A_313 : vector<16xf32>
      %parallel_loop3A_315 = arith.mulf %parallel_loop3A_314, %parallel_loop3A_314 : vector<16xf32>
      %parallel_loop3A_316 = arith.addf %parallel_loop3A_293, %parallel_loop3A_315 : vector<16xf32>
      %parallel_loop3A_317 = arith.constant 1 : i32
      %parallel_loop3A_318 = arith.addi %parallel_loop3A_292, %parallel_loop3A_317 : i32
      %parallel_loop3A_319 = arith.constant 16 : i32
      %parallel_loop3A_320 = arith.muli %parallel_loop3A_318, %parallel_loop3A_319 : i32
      %parallel_loop3A_321 = arith.constant 4096 : i32
      %parallel_loop3A_322 = arith.addi %parallel_loop3A_321, %parallel_loop3A_320 : i32
      %parallel_loop3A_323 = arith.index_cast %parallel_loop3A_322 : i32 to index
      %parallel_loop3A_324 = tpu.vector_load %arg7[%parallel_loop3A_323] {strides = array<i32>} : memref<16384xi32, #tpu.memory_space<vmem>>, vector<16xi32>,
      %parallel_loop3A_325 = arith.constant 1 : i32
      %parallel_loop3A_326 = arith.addi %parallel_loop3A_292, %parallel_loop3A_325 : i32
      %parallel_loop3A_327 = arith.constant 16 : i32
      %parallel_loop3A_328 = arith.muli %parallel_loop3A_326, %parallel_loop3A_327 : i32
      %parallel_loop3A_329 = arith.constant 1 : i32
      %parallel_loop3A_330 = arith.index_cast %parallel_loop3A_329 : i32 to index
      %parallel_loop3A_331 = arith.index_cast %parallel_loop3A_328 : i32 to index
      %parallel_loop3A_332 = tpu.vector_load %arg8[%parallel_loop3A_330, %parallel_loop3A_331] {strides = array<i32>} : memref<2x4096xf32, #tpu.memory_space<vmem>>, vector<16xf32>,
      %parallel_loop3A_333 = tpu.vector_load_idx %arg6[%parallel_loop3A_324] : memref<100000xf32, #tpu.memory_space<vmem>>[vector<16xi32>], vector<16xf32>,
      %parallel_loop3A_334 = arith.subf %parallel_loop3A_332, %parallel_loop3A_333 : vector<16xf32>
      %parallel_loop3A_335 = arith.mulf %parallel_loop3A_334, %parallel_loop3A_334 : vector<16xf32>
      %parallel_loop3A_336 = arith.addf %parallel_loop3A_294, %parallel_loop3A_335 : vector<16xf32>
      %parallel_loop3A_337 = arith.constant 2 : i32
      %parallel_loop3A_338 = arith.addi %parallel_loop3A_292, %parallel_loop3A_337 : i32
      %parallel_loop3A_339 = arith.constant 16 : i32
      %parallel_loop3A_340 = arith.muli %parallel_loop3A_338, %parallel_loop3A_339 : i32
      %parallel_loop3A_341 = arith.constant 4096 : i32
      %parallel_loop3A_342 = arith.addi %parallel_loop3A_341, %parallel_loop3A_340 : i32
      %parallel_loop3A_343 = arith.index_cast %parallel_loop3A_342 : i32 to index
      %parallel_loop3A_344 = tpu.vector_load %arg7[%parallel_loop3A_343] {strides = array<i32>} : memref<16384xi32, #tpu.memory_space<vmem>>, vector<16xi32>,
      %parallel_loop3A_345 = arith.constant 2 : i32
      %parallel_loop3A_346 = arith.addi %parallel_loop3A_292, %parallel_loop3A_345 : i32
      %parallel_loop3A_347 = arith.constant 16 : i32
      %parallel_loop3A_348 = arith.muli %parallel_loop3A_346, %parallel_loop3A_347 : i32
      %parallel_loop3A_349 = arith.constant 1 : i32
      %parallel_loop3A_350 = arith.index_cast %parallel_loop3A_349 : i32 to index
      %parallel_loop3A_351 = arith.index_cast %parallel_loop3A_348 : i32 to index
      %parallel_loop3A_352 = tpu.vector_load %arg8[%parallel_loop3A_350, %parallel_loop3A_351] {strides = array<i32>} : memref<2x4096xf32, #tpu.memory_space<vmem>>, vector<16xf32>,
      %parallel_loop3A_353 = tpu.vector_load_idx %arg6[%parallel_loop3A_344] : memref<100000xf32, #tpu.memory_space<vmem>>[vector<16xi32>], vector<16xf32>,
      %parallel_loop3A_354 = arith.subf %parallel_loop3A_352, %parallel_loop3A_353 : vector<16xf32>
      %parallel_loop3A_355 = arith.mulf %parallel_loop3A_354, %parallel_loop3A_354 : vector<16xf32>
      %parallel_loop3A_356 = arith.addf %parallel_loop3A_295, %parallel_loop3A_355 : vector<16xf32>
      %parallel_loop3A_357 = arith.constant 3 : i32
      %parallel_loop3A_358 = arith.addi %parallel_loop3A_292, %parallel_loop3A_357 : i32
      %parallel_loop3A_359 = arith.constant 16 : i32
      %parallel_loop3A_360 = arith.muli %parallel_loop3A_358, %parallel_loop3A_359 : i32
      %parallel_loop3A_361 = arith.constant 4096 : i32
      %parallel_loop3A_362 = arith.addi %parallel_loop3A_361, %parallel_loop3A_360 : i32
      %parallel_loop3A_363 = arith.index_cast %parallel_loop3A_362 : i32 to index
      %parallel_loop3A_364 = tpu.vector_load %arg7[%parallel_loop3A_363] {strides = array<i32>} : memref<16384xi32, #tpu.memory_space<vmem>>, vector<16xi32>,
      %parallel_loop3A_365 = arith.constant 3 : i32
      %parallel_loop3A_366 = arith.addi %parallel_loop3A_292, %parallel_loop3A_365 : i32
      %parallel_loop3A_367 = arith.constant 16 : i32
      %parallel_loop3A_368 = arith.muli %parallel_loop3A_366, %parallel_loop3A_367 : i32
      %parallel_loop3A_369 = arith.constant 1 : i32
      %parallel_loop3A_370 = arith.index_cast %parallel_loop3A_369 : i32 to index
      %parallel_loop3A_371 = arith.index_cast %parallel_loop3A_368 : i32 to index
      %parallel_loop3A_372 = tpu.vector_load %arg8[%parallel_loop3A_370, %parallel_loop3A_371] {strides = array<i32>} : memref<2x4096xf32, #tpu.memory_space<vmem>>, vector<16xf32>,
      %parallel_loop3A_373 = tpu.vector_load_idx %arg6[%parallel_loop3A_364] : memref<100000xf32, #tpu.memory_space<vmem>>[vector<16xi32>], vector<16xf32>,
      %parallel_loop3A_374 = arith.subf %parallel_loop3A_372, %parallel_loop3A_373 : vector<16xf32>
      %parallel_loop3A_375 = arith.mulf %parallel_loop3A_374, %parallel_loop3A_374 : vector<16xf32>
      %parallel_loop3A_376 = arith.addf %parallel_loop3A_296, %parallel_loop3A_375 : vector<16xf32>
      scf.yield %parallel_loop3A_316, %parallel_loop3A_336, %parallel_loop3A_356, %parallel_loop3A_376 : vector<16xf32>, vector<16xf32>, vector<16xf32>, vector<16xf32>
    } {sc.loop_unroll_factor = 2 : i64, sc.parallel_access}
    %dma_start3A_236 = arith.constant 1 : i32
    %dma_start3A_237 = arith.constant 0 : i32
    %dma_start3A_238 = tpu.memref_slice %arg8[%dma_start3A_236, %dma_start3A_237] : memref<2x4096xf32, #tpu.memory_space<vmem>> -> memref<1x4096xf32, #tpu.memory_space<vmem>>
    %dma_start3A_239 = tpu.memref_squeeze %dma_start3A_238 : memref<1x4096xf32, #tpu.memory_space<vmem>> -> memref<4096xf32, #tpu.memory_space<vmem>>
    %dma_start3A_240 = arith.constant 12288 : i32
    %dma_start3A_241 = tpu.memref_slice %arg3[%add3A_153, %dma_start3A_240] : memref<64x16384xf32, #tpu.memory_space<hbm>> -> memref<1x4096xf32, #tpu.memory_space<hbm>>
    %dma_start3A_242 = tpu.memref_squeeze %dma_start3A_241 : memref<1x4096xf32, #tpu.memory_space<hbm>> -> memref<4096xf32, #tpu.memory_space<hbm>>
    %dma_start3A_243 = arith.constant 0 : i32
    %dma_start3A_244 = tpu.memref_slice %arg8[%dma_start3A_236, %dma_start3A_243] : memref<2x4096xf32, #tpu.memory_space<vmem>> -> memref<1x4096xf32, #tpu.memory_space<vmem>>
    %dma_start3A_245 = tpu.memref_squeeze %dma_start3A_244 : memref<1x4096xf32, #tpu.memory_space<vmem>> -> memref<4096xf32, #tpu.memory_space<vmem>>
    %dma_start3A_246 = arith.constant 12288 : i32
    %dma_start3A_247 = tpu.memref_slice %arg3[%add3A_153, %dma_start3A_246] : memref<64x16384xf32, #tpu.memory_space<hbm>> -> memref<1x4096xf32, #tpu.memory_space<hbm>>
    %dma_start3A_248 = tpu.memref_squeeze %dma_start3A_247 : memref<1x4096xf32, #tpu.memory_space<hbm>> -> memref<4096xf32, #tpu.memory_space<hbm>>
    tpu.enqueue_dma source(%dma_start3A_248 : memref<4096xf32, #tpu.memory_space<hbm>>) target(%dma_start3A_245 : memref<4096xf32, #tpu.memory_space<vmem>>) target_semaphore(%arg12 : memref<!tpu.dma_semaphore, #tpu.memory_space<semaphore_mem>>)
    %dma_wait3A_249 = arith.constant 0 : i32
    %dma_wait3A_250 = arith.constant 0 : i32
    %dma_wait3A_251 = arith.constant 0 : i32
    %dma_wait3A_252 = tpu.memref_slice %arg8[%dma_wait3A_250, %dma_wait3A_251] : memref<2x4096xf32, #tpu.memory_space<vmem>> -> memref<1x4096xf32, #tpu.memory_space<vmem>>
    %dma_wait3A_253 = tpu.memref_squeeze %dma_wait3A_252 : memref<1x4096xf32, #tpu.memory_space<vmem>> -> memref<4096xf32, #tpu.memory_space<vmem>>
    %dma_wait3A_254 = arith.constant 0 : i32
    %dma_wait3A_255 = tpu.memref_slice %arg3[%dma_wait3A_249, %dma_wait3A_254] : memref<64x16384xf32, #tpu.memory_space<hbm>> -> memref<1x4096xf32, #tpu.memory_space<hbm>>
    %dma_wait3A_256 = tpu.memref_squeeze %dma_wait3A_255 : memref<1x4096xf32, #tpu.memory_space<hbm>> -> memref<4096xf32, #tpu.memory_space<hbm>>
    %dma_wait3A_257 = arith.constant 0 : i32
    %dma_wait3A_258 = tpu.memref_slice %arg8[%dma_wait3A_250, %dma_wait3A_257] : memref<2x4096xf32, #tpu.memory_space<vmem>> -> memref<1x4096xf32, #tpu.memory_space<vmem>>
    %dma_wait3A_259 = tpu.memref_squeeze %dma_wait3A_258 : memref<1x4096xf32, #tpu.memory_space<vmem>> -> memref<4096xf32, #tpu.memory_space<vmem>>
    %dma_wait3A_260 = arith.constant 0 : i32
    %dma_wait3A_261 = tpu.memref_slice %arg3[%dma_wait3A_249, %dma_wait3A_260] : memref<64x16384xf32, #tpu.memory_space<hbm>> -> memref<1x4096xf32, #tpu.memory_space<hbm>>
    %dma_wait3A_262 = tpu.memref_squeeze %dma_wait3A_261 : memref<1x4096xf32, #tpu.memory_space<hbm>> -> memref<4096xf32, #tpu.memory_space<hbm>>
    tpu.wait_dma2 semaphore(%arg11 : memref<!tpu.dma_semaphore, #tpu.memory_space<semaphore_mem>>) src(%dma_wait3A_262 : memref<4096xf32, #tpu.memory_space<hbm>>) dst(%dma_wait3A_259 : memref<4096xf32, #tpu.memory_space<vmem>>)
    %parallel_loop3A_263 = arith.constant 0 : i32
    %parallel_loop3A_264 = arith.constant 256 : i32
    %parallel_loop3A_265 = arith.constant 4 : i32
    %parallel_loop3A_266:4 = scf.for %parallel_loop3A_292 = %parallel_loop3A_263 to %parallel_loop3A_264 step %parallel_loop3A_265 iter_args(%parallel_loop3A_293 = %parallel_loop3A_235#0, %parallel_loop3A_294 = %parallel_loop3A_235#1, %parallel_loop3A_295 = %parallel_loop3A_235#2, %parallel_loop3A_296 = %parallel_loop3A_235#3) -> (vector<16xf32>, vector<16xf32>, vector<16xf32>, vector<16xf32>)  : i32 {
      %parallel_loop3A_297 = arith.constant 0 : i32
      %parallel_loop3A_298 = arith.addi %parallel_loop3A_292, %parallel_loop3A_297 : i32
      %parallel_loop3A_299 = arith.constant 16 : i32
      %parallel_loop3A_300 = arith.muli %parallel_loop3A_298, %parallel_loop3A_299 : i32
      %parallel_loop3A_301 = arith.constant 8192 : i32
      %parallel_loop3A_302 = arith.addi %parallel_loop3A_301, %parallel_loop3A_300 : i32
      %parallel_loop3A_303 = arith.index_cast %parallel_loop3A_302 : i32 to index
      %parallel_loop3A_304 = tpu.vector_load %arg7[%parallel_loop3A_303] {strides = array<i32>} : memref<16384xi32, #tpu.memory_space<vmem>>, vector<16xi32>,
      %parallel_loop3A_305 = arith.constant 0 : i32
      %parallel_loop3A_306 = arith.addi %parallel_loop3A_292, %parallel_loop3A_305 : i32
      %parallel_loop3A_307 = arith.constant 16 : i32
      %parallel_loop3A_308 = arith.muli %parallel_loop3A_306, %parallel_loop3A_307 : i32
      %parallel_loop3A_309 = arith.constant 0 : i32
      %parallel_loop3A_310 = arith.index_cast %parallel_loop3A_309 : i32 to index
      %parallel_loop3A_311 = arith.index_cast %parallel_loop3A_308 : i32 to index
      %parallel_loop3A_312 = tpu.vector_load %arg8[%parallel_loop3A_310, %parallel_loop3A_311] {strides = array<i32>} : memref<2x4096xf32, #tpu.memory_space<vmem>>, vector<16xf32>,
      %parallel_loop3A_313 = tpu.vector_load_idx %arg6[%parallel_loop3A_304] : memref<100000xf32, #tpu.memory_space<vmem>>[vector<16xi32>], vector<16xf32>,
      %parallel_loop3A_314 = arith.subf %parallel_loop3A_312, %parallel_loop3A_313 : vector<16xf32>
      %parallel_loop3A_315 = arith.mulf %parallel_loop3A_314, %parallel_loop3A_314 : vector<16xf32>
      %parallel_loop3A_316 = arith.addf %parallel_loop3A_293, %parallel_loop3A_315 : vector<16xf32>
      %parallel_loop3A_317 = arith.constant 1 : i32
      %parallel_loop3A_318 = arith.addi %parallel_loop3A_292, %parallel_loop3A_317 : i32
      %parallel_loop3A_319 = arith.constant 16 : i32
      %parallel_loop3A_320 = arith.muli %parallel_loop3A_318, %parallel_loop3A_319 : i32
      %parallel_loop3A_321 = arith.constant 8192 : i32
      %parallel_loop3A_322 = arith.addi %parallel_loop3A_321, %parallel_loop3A_320 : i32
      %parallel_loop3A_323 = arith.index_cast %parallel_loop3A_322 : i32 to index
      %parallel_loop3A_324 = tpu.vector_load %arg7[%parallel_loop3A_323] {strides = array<i32>} : memref<16384xi32, #tpu.memory_space<vmem>>, vector<16xi32>,
      %parallel_loop3A_325 = arith.constant 1 : i32
      %parallel_loop3A_326 = arith.addi %parallel_loop3A_292, %parallel_loop3A_325 : i32
      %parallel_loop3A_327 = arith.constant 16 : i32
      %parallel_loop3A_328 = arith.muli %parallel_loop3A_326, %parallel_loop3A_327 : i32
      %parallel_loop3A_329 = arith.constant 0 : i32
      %parallel_loop3A_330 = arith.index_cast %parallel_loop3A_329 : i32 to index
      %parallel_loop3A_331 = arith.index_cast %parallel_loop3A_328 : i32 to index
      %parallel_loop3A_332 = tpu.vector_load %arg8[%parallel_loop3A_330, %parallel_loop3A_331] {strides = array<i32>} : memref<2x4096xf32, #tpu.memory_space<vmem>>, vector<16xf32>,
      %parallel_loop3A_333 = tpu.vector_load_idx %arg6[%parallel_loop3A_324] : memref<100000xf32, #tpu.memory_space<vmem>>[vector<16xi32>], vector<16xf32>,
      %parallel_loop3A_334 = arith.subf %parallel_loop3A_332, %parallel_loop3A_333 : vector<16xf32>
      %parallel_loop3A_335 = arith.mulf %parallel_loop3A_334, %parallel_loop3A_334 : vector<16xf32>
      %parallel_loop3A_336 = arith.addf %parallel_loop3A_294, %parallel_loop3A_335 : vector<16xf32>
      %parallel_loop3A_337 = arith.constant 2 : i32
      %parallel_loop3A_338 = arith.addi %parallel_loop3A_292, %parallel_loop3A_337 : i32
      %parallel_loop3A_339 = arith.constant 16 : i32
      %parallel_loop3A_340 = arith.muli %parallel_loop3A_338, %parallel_loop3A_339 : i32
      %parallel_loop3A_341 = arith.constant 8192 : i32
      %parallel_loop3A_342 = arith.addi %parallel_loop3A_341, %parallel_loop3A_340 : i32
      %parallel_loop3A_343 = arith.index_cast %parallel_loop3A_342 : i32 to index
      %parallel_loop3A_344 = tpu.vector_load %arg7[%parallel_loop3A_343] {strides = array<i32>} : memref<16384xi32, #tpu.memory_space<vmem>>, vector<16xi32>,
      %parallel_loop3A_345 = arith.constant 2 : i32
      %parallel_loop3A_346 = arith.addi %parallel_loop3A_292, %parallel_loop3A_345 : i32
      %parallel_loop3A_347 = arith.constant 16 : i32
      %parallel_loop3A_348 = arith.muli %parallel_loop3A_346, %parallel_loop3A_347 : i32
      %parallel_loop3A_349 = arith.constant 0 : i32
      %parallel_loop3A_350 = arith.index_cast %parallel_loop3A_349 : i32 to index
      %parallel_loop3A_351 = arith.index_cast %parallel_loop3A_348 : i32 to index
      %parallel_loop3A_352 = tpu.vector_load %arg8[%parallel_loop3A_350, %parallel_loop3A_351] {strides = array<i32>} : memref<2x4096xf32, #tpu.memory_space<vmem>>, vector<16xf32>,
      %parallel_loop3A_353 = tpu.vector_load_idx %arg6[%parallel_loop3A_344] : memref<100000xf32, #tpu.memory_space<vmem>>[vector<16xi32>], vector<16xf32>,
      %parallel_loop3A_354 = arith.subf %parallel_loop3A_352, %parallel_loop3A_353 : vector<16xf32>
      %parallel_loop3A_355 = arith.mulf %parallel_loop3A_354, %parallel_loop3A_354 : vector<16xf32>
      %parallel_loop3A_356 = arith.addf %parallel_loop3A_295, %parallel_loop3A_355 : vector<16xf32>
      %parallel_loop3A_357 = arith.constant 3 : i32
      %parallel_loop3A_358 = arith.addi %parallel_loop3A_292, %parallel_loop3A_357 : i32
      %parallel_loop3A_359 = arith.constant 16 : i32
      %parallel_loop3A_360 = arith.muli %parallel_loop3A_358, %parallel_loop3A_359 : i32
      %parallel_loop3A_361 = arith.constant 8192 : i32
      %parallel_loop3A_362 = arith.addi %parallel_loop3A_361, %parallel_loop3A_360 : i32
      %parallel_loop3A_363 = arith.index_cast %parallel_loop3A_362 : i32 to index
      %parallel_loop3A_364 = tpu.vector_load %arg7[%parallel_loop3A_363] {strides = array<i32>} : memref<16384xi32, #tpu.memory_space<vmem>>, vector<16xi32>,
      %parallel_loop3A_365 = arith.constant 3 : i32
      %parallel_loop3A_366 = arith.addi %parallel_loop3A_292, %parallel_loop3A_365 : i32
      %parallel_loop3A_367 = arith.constant 16 : i32
      %parallel_loop3A_368 = arith.muli %parallel_loop3A_366, %parallel_loop3A_367 : i32
      %parallel_loop3A_369 = arith.constant 0 : i32
      %parallel_loop3A_370 = arith.index_cast %parallel_loop3A_369 : i32 to index
      %parallel_loop3A_371 = arith.index_cast %parallel_loop3A_368 : i32 to index
      %parallel_loop3A_372 = tpu.vector_load %arg8[%parallel_loop3A_370, %parallel_loop3A_371] {strides = array<i32>} : memref<2x4096xf32, #tpu.memory_space<vmem>>, vector<16xf32>,
      %parallel_loop3A_373 = tpu.vector_load_idx %arg6[%parallel_loop3A_364] : memref<100000xf32, #tpu.memory_space<vmem>>[vector<16xi32>], vector<16xf32>,
      %parallel_loop3A_374 = arith.subf %parallel_loop3A_372, %parallel_loop3A_373 : vector<16xf32>
      %parallel_loop3A_375 = arith.mulf %parallel_loop3A_374, %parallel_loop3A_374 : vector<16xf32>
      %parallel_loop3A_376 = arith.addf %parallel_loop3A_296, %parallel_loop3A_375 : vector<16xf32>
      scf.yield %parallel_loop3A_316, %parallel_loop3A_336, %parallel_loop3A_356, %parallel_loop3A_376 : vector<16xf32>, vector<16xf32>, vector<16xf32>, vector<16xf32>
    } {sc.loop_unroll_factor = 2 : i64, sc.parallel_access}
    %dma_wait3A_267 = arith.constant 0 : i32
    %dma_wait3A_268 = arith.constant 1 : i32
    %dma_wait3A_269 = arith.constant 0 : i32
    %dma_wait3A_270 = tpu.memref_slice %arg8[%dma_wait3A_268, %dma_wait3A_269] : memref<2x4096xf32, #tpu.memory_space<vmem>> -> memref<1x4096xf32, #tpu.memory_space<vmem>>
    %dma_wait3A_271 = tpu.memref_squeeze %dma_wait3A_270 : memref<1x4096xf32, #tpu.memory_space<vmem>> -> memref<4096xf32, #tpu.memory_space<vmem>>
    %dma_wait3A_272 = arith.constant 0 : i32
    %dma_wait3A_273 = tpu.memref_slice %arg3[%dma_wait3A_267, %dma_wait3A_272] : memref<64x16384xf32, #tpu.memory_space<hbm>> -> memref<1x4096xf32, #tpu.memory_space<hbm>>
    %dma_wait3A_274 = tpu.memref_squeeze %dma_wait3A_273 : memref<1x4096xf32, #tpu.memory_space<hbm>> -> memref<4096xf32, #tpu.memory_space<hbm>>
    %dma_wait3A_275 = arith.constant 0 : i32
    %dma_wait3A_276 = tpu.memref_slice %arg8[%dma_wait3A_268, %dma_wait3A_275] : memref<2x4096xf32, #tpu.memory_space<vmem>> -> memref<1x4096xf32, #tpu.memory_space<vmem>>
    %dma_wait3A_277 = tpu.memref_squeeze %dma_wait3A_276 : memref<1x4096xf32, #tpu.memory_space<vmem>> -> memref<4096xf32, #tpu.memory_space<vmem>>
    %dma_wait3A_278 = arith.constant 0 : i32
    %dma_wait3A_279 = tpu.memref_slice %arg3[%dma_wait3A_267, %dma_wait3A_278] : memref<64x16384xf32, #tpu.memory_space<hbm>> -> memref<1x4096xf32, #tpu.memory_space<hbm>>
    %dma_wait3A_280 = tpu.memref_squeeze %dma_wait3A_279 : memref<1x4096xf32, #tpu.memory_space<hbm>> -> memref<4096xf32, #tpu.memory_space<hbm>>
    tpu.wait_dma2 semaphore(%arg12 : memref<!tpu.dma_semaphore, #tpu.memory_space<semaphore_mem>>) src(%dma_wait3A_280 : memref<4096xf32, #tpu.memory_space<hbm>>) dst(%dma_wait3A_277 : memref<4096xf32, #tpu.memory_space<vmem>>)
    %parallel_loop3A_281 = arith.constant 0 : i32
    %parallel_loop3A_282 = arith.constant 256 : i32
    %parallel_loop3A_283 = arith.constant 4 : i32
    %parallel_loop3A_284:4 = scf.for %parallel_loop3A_292 = %parallel_loop3A_281 to %parallel_loop3A_282 step %parallel_loop3A_283 iter_args(%parallel_loop3A_293 = %parallel_loop3A_266#0, %parallel_loop3A_294 = %parallel_loop3A_266#1, %parallel_loop3A_295 = %parallel_loop3A_266#2, %parallel_loop3A_296 = %parallel_loop3A_266#3) -> (vector<16xf32>, vector<16xf32>, vector<16xf32>, vector<16xf32>)  : i32 {
      %parallel_loop3A_297 = arith.constant 0 : i32
      %parallel_loop3A_298 = arith.addi %parallel_loop3A_292, %parallel_loop3A_297 : i32
      %parallel_loop3A_299 = arith.constant 16 : i32
      %parallel_loop3A_300 = arith.muli %parallel_loop3A_298, %parallel_loop3A_299 : i32
      %parallel_loop3A_301 = arith.constant 12288 : i32
      %parallel_loop3A_302 = arith.addi %parallel_loop3A_301, %parallel_loop3A_300 : i32
      %parallel_loop3A_303 = arith.index_cast %parallel_loop3A_302 : i32 to index
      %parallel_loop3A_304 = tpu.vector_load %arg7[%parallel_loop3A_303] {strides = array<i32>} : memref<16384xi32, #tpu.memory_space<vmem>>, vector<16xi32>,
      %parallel_loop3A_305 = arith.constant 0 : i32
      %parallel_loop3A_306 = arith.addi %parallel_loop3A_292, %parallel_loop3A_305 : i32
      %parallel_loop3A_307 = arith.constant 16 : i32
      %parallel_loop3A_308 = arith.muli %parallel_loop3A_306, %parallel_loop3A_307 : i32
      %parallel_loop3A_309 = arith.constant 1 : i32
      %parallel_loop3A_310 = arith.index_cast %parallel_loop3A_309 : i32 to index
      %parallel_loop3A_311 = arith.index_cast %parallel_loop3A_308 : i32 to index
      %parallel_loop3A_312 = tpu.vector_load %arg8[%parallel_loop3A_310, %parallel_loop3A_311] {strides = array<i32>} : memref<2x4096xf32, #tpu.memory_space<vmem>>, vector<16xf32>,
      %parallel_loop3A_313 = tpu.vector_load_idx %arg6[%parallel_loop3A_304] : memref<100000xf32, #tpu.memory_space<vmem>>[vector<16xi32>], vector<16xf32>,
      %parallel_loop3A_314 = arith.subf %parallel_loop3A_312, %parallel_loop3A_313 : vector<16xf32>
      %parallel_loop3A_315 = arith.mulf %parallel_loop3A_314, %parallel_loop3A_314 : vector<16xf32>
      %parallel_loop3A_316 = arith.addf %parallel_loop3A_293, %parallel_loop3A_315 : vector<16xf32>
      %parallel_loop3A_317 = arith.constant 1 : i32
      %parallel_loop3A_318 = arith.addi %parallel_loop3A_292, %parallel_loop3A_317 : i32
      %parallel_loop3A_319 = arith.constant 16 : i32
      %parallel_loop3A_320 = arith.muli %parallel_loop3A_318, %parallel_loop3A_319 : i32
      %parallel_loop3A_321 = arith.constant 12288 : i32
      %parallel_loop3A_322 = arith.addi %parallel_loop3A_321, %parallel_loop3A_320 : i32
      %parallel_loop3A_323 = arith.index_cast %parallel_loop3A_322 : i32 to index
      %parallel_loop3A_324 = tpu.vector_load %arg7[%parallel_loop3A_323] {strides = array<i32>} : memref<16384xi32, #tpu.memory_space<vmem>>, vector<16xi32>,
      %parallel_loop3A_325 = arith.constant 1 : i32
      %parallel_loop3A_326 = arith.addi %parallel_loop3A_292, %parallel_loop3A_325 : i32
      %parallel_loop3A_327 = arith.constant 16 : i32
      %parallel_loop3A_328 = arith.muli %parallel_loop3A_326, %parallel_loop3A_327 : i32
      %parallel_loop3A_329 = arith.constant 1 : i32
      %parallel_loop3A_330 = arith.index_cast %parallel_loop3A_329 : i32 to index
      %parallel_loop3A_331 = arith.index_cast %parallel_loop3A_328 : i32 to index
      %parallel_loop3A_332 = tpu.vector_load %arg8[%parallel_loop3A_330, %parallel_loop3A_331] {strides = array<i32>} : memref<2x4096xf32, #tpu.memory_space<vmem>>, vector<16xf32>,
      %parallel_loop3A_333 = tpu.vector_load_idx %arg6[%parallel_loop3A_324] : memref<100000xf32, #tpu.memory_space<vmem>>[vector<16xi32>], vector<16xf32>,
      %parallel_loop3A_334 = arith.subf %parallel_loop3A_332, %parallel_loop3A_333 : vector<16xf32>
      %parallel_loop3A_335 = arith.mulf %parallel_loop3A_334, %parallel_loop3A_334 : vector<16xf32>
      %parallel_loop3A_336 = arith.addf %parallel_loop3A_294, %parallel_loop3A_335 : vector<16xf32>
      %parallel_loop3A_337 = arith.constant 2 : i32
      %parallel_loop3A_338 = arith.addi %parallel_loop3A_292, %parallel_loop3A_337 : i32
      %parallel_loop3A_339 = arith.constant 16 : i32
      %parallel_loop3A_340 = arith.muli %parallel_loop3A_338, %parallel_loop3A_339 : i32
      %parallel_loop3A_341 = arith.constant 12288 : i32
      %parallel_loop3A_342 = arith.addi %parallel_loop3A_341, %parallel_loop3A_340 : i32
      %parallel_loop3A_343 = arith.index_cast %parallel_loop3A_342 : i32 to index
      %parallel_loop3A_344 = tpu.vector_load %arg7[%parallel_loop3A_343] {strides = array<i32>} : memref<16384xi32, #tpu.memory_space<vmem>>, vector<16xi32>,
      %parallel_loop3A_345 = arith.constant 2 : i32
      %parallel_loop3A_346 = arith.addi %parallel_loop3A_292, %parallel_loop3A_345 : i32
      %parallel_loop3A_347 = arith.constant 16 : i32
      %parallel_loop3A_348 = arith.muli %parallel_loop3A_346, %parallel_loop3A_347 : i32
      %parallel_loop3A_349 = arith.constant 1 : i32
      %parallel_loop3A_350 = arith.index_cast %parallel_loop3A_349 : i32 to index
      %parallel_loop3A_351 = arith.index_cast %parallel_loop3A_348 : i32 to index
      %parallel_loop3A_352 = tpu.vector_load %arg8[%parallel_loop3A_350, %parallel_loop3A_351] {strides = array<i32>} : memref<2x4096xf32, #tpu.memory_space<vmem>>, vector<16xf32>,
      %parallel_loop3A_353 = tpu.vector_load_idx %arg6[%parallel_loop3A_344] : memref<100000xf32, #tpu.memory_space<vmem>>[vector<16xi32>], vector<16xf32>,
      %parallel_loop3A_354 = arith.subf %parallel_loop3A_352, %parallel_loop3A_353 : vector<16xf32>
      %parallel_loop3A_355 = arith.mulf %parallel_loop3A_354, %parallel_loop3A_354 : vector<16xf32>
      %parallel_loop3A_356 = arith.addf %parallel_loop3A_295, %parallel_loop3A_355 : vector<16xf32>
      %parallel_loop3A_357 = arith.constant 3 : i32
      %parallel_loop3A_358 = arith.addi %parallel_loop3A_292, %parallel_loop3A_357 : i32
      %parallel_loop3A_359 = arith.constant 16 : i32
      %parallel_loop3A_360 = arith.muli %parallel_loop3A_358, %parallel_loop3A_359 : i32
      %parallel_loop3A_361 = arith.constant 12288 : i32
      %parallel_loop3A_362 = arith.addi %parallel_loop3A_361, %parallel_loop3A_360 : i32
      %parallel_loop3A_363 = arith.index_cast %parallel_loop3A_362 : i32 to index
      %parallel_loop3A_364 = tpu.vector_load %arg7[%parallel_loop3A_363] {strides = array<i32>} : memref<16384xi32, #tpu.memory_space<vmem>>, vector<16xi32>,
      %parallel_loop3A_365 = arith.constant 3 : i32
      %parallel_loop3A_366 = arith.addi %parallel_loop3A_292, %parallel_loop3A_365 : i32
      %parallel_loop3A_367 = arith.constant 16 : i32
      %parallel_loop3A_368 = arith.muli %parallel_loop3A_366, %parallel_loop3A_367 : i32
      %parallel_loop3A_369 = arith.constant 1 : i32
      %parallel_loop3A_370 = arith.index_cast %parallel_loop3A_369 : i32 to index
      %parallel_loop3A_371 = arith.index_cast %parallel_loop3A_368 : i32 to index
      %parallel_loop3A_372 = tpu.vector_load %arg8[%parallel_loop3A_370, %parallel_loop3A_371] {strides = array<i32>} : memref<2x4096xf32, #tpu.memory_space<vmem>>, vector<16xf32>,
      %parallel_loop3A_373 = tpu.vector_load_idx %arg6[%parallel_loop3A_364] : memref<100000xf32, #tpu.memory_space<vmem>>[vector<16xi32>], vector<16xf32>,
      %parallel_loop3A_374 = arith.subf %parallel_loop3A_372, %parallel_loop3A_373 : vector<16xf32>
      %parallel_loop3A_375 = arith.mulf %parallel_loop3A_374, %parallel_loop3A_374 : vector<16xf32>
      %parallel_loop3A_376 = arith.addf %parallel_loop3A_296, %parallel_loop3A_375 : vector<16xf32>
      scf.yield %parallel_loop3A_316, %parallel_loop3A_336, %parallel_loop3A_356, %parallel_loop3A_376 : vector<16xf32>, vector<16xf32>, vector<16xf32>, vector<16xf32>
    } {sc.loop_unroll_factor = 2 : i64, sc.parallel_access}
    %add3A_285 = arith.addf %parallel_loop3A_284#0, %parallel_loop3A_284#1 : vector<16xf32>
    %add3A_286 = arith.addf %add3A_285, %parallel_loop3A_284#2 : vector<16xf32>
    %add3A_287 = arith.addf %add3A_286, %parallel_loop3A_284#3 : vector<16xf32>
    %mul3A_288 = arith.constant 5.000000e-01 : f32
    %mul3A_289 = vector.broadcast %mul3A_288 : f32 to vector<16xf32>
    %mul3A_290 = arith.mulf %add3A_287, %mul3A_289 : vector<16xf32>
    %swap3A = arith.constant 0 : index
    %swap3A_291 = tpu.vector_load %arg9[%swap3A] {strides = array<i32>} : memref<16xf32, #tpu.memory_space<vmem>>, vector<16xf32>,
    tpu.vector_store %arg9[%swap3A], %mul3A_290 {strides = array<i32>} : memref<16xf32, #tpu.memory_space<vmem>>, vector<16xf32>,
    "tpu.region"() ({
      %run_scoped3A = tpu.sem_alloc : memref<!tpu.dma_semaphore, #tpu.memory_space<semaphore_mem>>
      %dma_start3A_292 = arith.constant 0 : i32
      %dma_start3A_293 = tpu.memref_slice %arg5[%add3A, %dma_start3A_292] : memref<32x16xf32, #tpu.memory_space<hbm>> -> memref<1x16xf32, #tpu.memory_space<hbm>>
      %dma_start3A_294 = tpu.memref_squeeze %dma_start3A_293 : memref<1x16xf32, #tpu.memory_space<hbm>> -> memref<16xf32, #tpu.memory_space<hbm>>
      %dma_start3A_295 = arith.constant 0 : i32
      %dma_start3A_296 = tpu.memref_slice %arg5[%add3A, %dma_start3A_295] : memref<32x16xf32, #tpu.memory_space<hbm>> -> memref<1x16xf32, #tpu.memory_space<hbm>>
      %dma_start3A_297 = tpu.memref_squeeze %dma_start3A_296 : memref<1x16xf32, #tpu.memory_space<hbm>> -> memref<16xf32, #tpu.memory_space<hbm>>
      tpu.enqueue_dma source(%arg9 : memref<16xf32, #tpu.memory_space<vmem>>) target(%dma_start3A_297 : memref<16xf32, #tpu.memory_space<hbm>>) target_semaphore(%run_scoped3A : memref<!tpu.dma_semaphore, #tpu.memory_space<semaphore_mem>>)
      %dma_wait3A_298 = arith.constant 0 : i32
      %dma_wait3A_299 = tpu.memref_slice %arg5[%add3A, %dma_wait3A_298] : memref<32x16xf32, #tpu.memory_space<hbm>> -> memref<1x16xf32, #tpu.memory_space<hbm>>
      %dma_wait3A_300 = tpu.memref_squeeze %dma_wait3A_299 : memref<1x16xf32, #tpu.memory_space<hbm>> -> memref<16xf32, #tpu.memory_space<hbm>>
      %dma_wait3A_301 = arith.constant 0 : i32
      %dma_wait3A_302 = tpu.memref_slice %arg5[%add3A, %dma_wait3A_301] : memref<32x16xf32, #tpu.memory_space<hbm>> -> memref<1x16xf32, #tpu.memory_space<hbm>>
      %dma_wait3A_303 = tpu.memref_squeeze %dma_wait3A_302 : memref<1x16xf32, #tpu.memory_space<hbm>> -> memref<16xf32, #tpu.memory_space<hbm>>
      tpu.wait_dma2 semaphore(%run_scoped3A : memref<!tpu.dma_semaphore, #tpu.memory_space<semaphore_mem>>) src(%arg9 : memref<16xf32, #tpu.memory_space<vmem>>) dst(%dma_wait3A_303 : memref<16xf32, #tpu.memory_space<hbm>>)
      tpu.yield
    }) : () -> ()
    return
  }
}

</mosaic_0001>

<sc_bundles>
// kernel: kernel.3.cloned.1.call-start
scs
__scs_entry_jumppad:
0x0: {  	(pc) =	sbr.rel $0x88, $3  }
0x1: {  	(tag) =	ssettag $0x0;
	lr =	simm.s32 $0x1  }
0x2: {  	[smem:$0x3F9E] =	sst lr;
	_ =	strace $0xD0000000  }
0x3: {  	_ = 	snop  }
0x4: {  	_ = 	snop  }
0x5: {  	_ = 	snop  }
0x6: {  	_ = 	snop  }
0x7: {  	_ = 	snop  }
__scs_overlays_trampoline_lowered:
0x8: {  	[smem:$0x3FAD] =	sst s0  }
0x9: {  	[smem:$0x3FAE] =	sst s1  }
0xa: {  	[smem:$0x3FAF] =	sst s2  }
0xb: {  	[smem:$0x3FB0] =	sst s3  }
0xc: {  	[smem:$0x3FB1] =	sst s4  }
0xd: {  	[smem:$0x3FB2] =	sst s5  }
0xe: {  	[smem:$0x3FB3] =	sst s6  }
0xf: {  	[smem:$0x3FB4] =	sst s7  }
0x10: {  	[smem:$0x3FB5] =	sst s8  }
0x11: {  	[smem:$0x3FB6] =	sst s9;
	s0 =	simm.s32 @!p0 $0x0  }
0x12: {  	s1 =	sld [smem:$0x3F9C];
	s0 =	simm.s32 @p0 $0x1  }
0x13: {  	[smem:$0x3FB7] =	sst s0;
	s0 =	simm.s32 @!p1 $0x0  }
0x14: {  	s2 =	sld [smem:$0x3F9B];
	s0 =	simm.s32 @p1 $0x1  }
0x15: {  	[smem:$0x3FB8] =	sst s0;
	s0 =	simm.s32 @!p2 $0x0  }
0x16: {  	s3 =	sld [smem:$0x3FDB];
	s0 =	simm.s32 @p2 $0x1  }
0x17: {  	s4 =	simm.s32 $0x1BF5;
	[smem:$0x3FBA] =	sst s0  }
0x18: {  	s0 =	sld [smem:$0x3F9D];
	_ =	swait.ge [sflag:s4], $0x0  }
0x19: {  	s7 =	sld [smem:$0x3F9E]  }
0x1a: {  	s8 =	sadd.s32 $0xFFFFE003, lr  }
0x1b: {  	s9 =	sadd.s32 $0xFFFFFEF7, lr;
	s5 =	simm.s32 $0xFFFFFFFF;
	p2 =	slt.u32 s8, $0xFFFFF086  }
0x1c: {  	p1 =	slt.u32 s9, $0xF7A;
	s5 =	simm.s32 @!p2 $0x0  }
0x1d: {  	s5 =	simm.s32 @p1 $0x1;
	p0 =	seq.s32 s7, s2  }
0x1e: {  	s7 =	smul.u32 @!p0 $0xF7A, s2;
	p2 =	seq.s32 @!p0 s5, $0x0  }
0x1f: {  	s9 =	smul.u32 $0xF7A, s1;
	s8 =	simm.s32 @!p0 $0x1BF5;
	p2 =	por !p2, p0  }
0x20: {  	[sflag:s8] =	ssyncset.s32 @!p0 $0xFFFFF086;
	s6 =	sadd.s32 @!p0 s3, s7;
	s7 =	simm.s32 @!p0 $0x108  }
0x21: {  	s3 =	sadd.s32 s3, s9;
	s6 =	sadd.s32 @!p0 $0x88, s6;
	s7 =	simm.s32 @p2 $0x1082  }
0x22: {  	[simem:s7], [sflag:s8] =	dma.local @!p0 [hbm:s6], $0xF7A  }
0x23: {  	s9 =	sor.u32 $0xD0000000, s2;
	s6 =	simm.s32 $0x108;
	_ =	swait.ge @!p0 [sflag:s8], $0x0  }
0x24: {  	s3 =	sadd.s32 $0x88, s3;
	s6 =	simm.s32 @!p1 $0x1082;
	[sflag:s4] =	ssyncset.s32 $0xFFFFF086  }
0x25: {  	[simem:s6], [sflag:s4] =	dma.local [hbm:s3], $0xF7A  }
0x26: {  	[smem:$0x3F9E] =	sst s1;
	(tag) =	ssettag s2;
	_ =	strace s9  }
0x27: {  	s1 =	sld [smem:$0x3FAE]  }
0x28: {  	s2 =	sld [smem:$0x3FAF]  }
0x29: {  	s4 =	sld [smem:$0x3FB1]  }
0x2a: {  	p0 =	seq.s32 s5, $0x0;
	s5 =	sld [smem:$0x3FB2]  }
0x2b: {  	s6 =	sld [smem:$0x3FB3]  }
0x2c: {  	s7 =	sld [smem:$0x3FB4]  }
0x2d: {  	s3 =	simm.s32 $0x108;
	s8 =	sld [smem:$0x3FB5]  }
0x2e: {  	s3 =	simm.s32 @!p0 $0x1082;
	s9 =	sld [smem:$0x3FB6]  }
0x2f: {  	lr =	sadd.s32 s0, s3;
	s0 =	sld [smem:$0x3FAD]  }
0x30: {  	s3 =	sld [smem:$0x3FB0]  }
0x31: {  	[smem:$0x3FB9] =	sst s10  }
0x32: {  	s10 =	sld [smem:$0x3FB7];
	_ =	sdelay $0x3  }
0x33: {  	p0 =	seq.s32 s10, $0x1;
	s10 =	sld [smem:$0x3FB9];
	_ =	sdelay $0x3  }
0x34: {  	[smem:$0x3FB9] =	sst s10  }
0x35: {  	s10 =	sld [smem:$0x3FB8];
	_ =	sdelay $0x3  }
0x36: {  	p1 =	seq.s32 s10, $0x1;
	s10 =	sld [smem:$0x3FB9];
	_ =	sdelay $0x3  }
0x37: {  	[smem:$0x3FB9] =	sst s10  }
0x38: {  	s10 =	sld [smem:$0x3FBA]  }
0x39: {  	_ = 	snop;
	(pc) =	sbr.ind lr, $3  }
0x3a: {  	_ = 	snop  }
0x3b: {  	_ = 	snop  }
0x3c: {  	p2 =	seq.s32 s10, $0x1;
	s10 =	sld [smem:$0x3FB9]  }
0x3d: {  	_ =	shalt  }
0x3e: {  	_ =	shalt  }
0x3f: {  	_ =	shalt  }
0x40: {  	_ =	shalt  }
0x41: {  	_ =	shalt  }
0x42: {  	_ =	shalt  }
0x43: {  	_ =	shalt  }
0x44: {  	_ =	shalt  }
0x45: {  	_ =	shalt  }
0x46: {  	_ =	shalt  }
0x47: {  	_ =	shalt  }
0x48: {  	_ =	shalt  }
0x49: {  	_ =	shalt  }
0x4a: {  	_ =	shalt  }
0x4b: {  	_ =	shalt  }
0x4c: {  	_ =	shalt  }
0x4d: {  	_ =	shalt  }
0x4e: {  	_ =	shalt  }
0x4f: {  	_ =	shalt  }
0x50: {  	_ =	shalt  }
0x51: {  	_ =	shalt  }
0x52: {  	_ =	shalt  }
0x53: {  	_ =	shalt  }
0x54: {  	_ =	shalt  }
0x55: {  	_ =	shalt  }
0x56: {  	_ =	shalt  }
0x57: {  	_ =	shalt  }
0x58: {  	_ =	shalt  }
0x59: {  	_ =	shalt  }
0x5a: {  	_ =	shalt  }
0x5b: {  	_ =	shalt  }
0x5c: {  	_ =	shalt  }
0x5d: {  	_ =	shalt  }
0x5e: {  	_ =	shalt  }
0x5f: {  	_ =	shalt  }
0x60: {  	_ =	shalt  }
0x61: {  	_ =	shalt  }
0x62: {  	_ =	shalt  }
0x63: {  	_ =	shalt  }
0x64: {  	_ =	shalt  }
0x65: {  	_ =	shalt  }
0x66: {  	_ =	shalt  }
0x67: {  	_ =	shalt  }
0x68: {  	_ =	shalt  }
0x69: {  	_ =	shalt  }
0x6a: {  	_ =	shalt  }
0x6b: {  	_ =	shalt  }
0x6c: {  	_ =	shalt  }
0x6d: {  	_ =	shalt  }
0x6e: {  	_ =	shalt  }
0x6f: {  	_ =	shalt  }
0x70: {  	_ =	shalt  }
0x71: {  	_ =	shalt  }
0x72: {  	_ =	shalt  }
0x73: {  	_ =	shalt  }
0x74: {  	_ =	shalt  }
0x75: {  	_ =	shalt  }
0x76: {  	_ =	shalt  }
0x77: {  	_ =	shalt  }
0x78: {  	_ =	shalt  }
0x79: {  	_ =	shalt  }
0x7a: {  	_ =	shalt  }
0x7b: {  	_ =	shalt  }
0x7c: {  	_ =	shalt  }
0x7d: {  	_ =	shalt  }
0x7e: {  	_ =	shalt  }
0x7f: {  	_ =	shalt  }
0x80: {  	_ =	shalt  }
0x81: {  	_ =	shalt  }
0x82: {  	_ =	shalt  }
0x83: {  	_ =	shalt  }
0x84: {  	_ =	shalt  }
0x85: {  	_ =	shalt  }
0x86: {  	_ =	shalt  }
0x87: {  	_ =	shalt  }
.Lfunc_end0:
.L_simem_size_0:
called_computation_lowered:
.L_overlay_start_0:
0x88: {  	s2 =	sld [smem:$0x3FD9]  }
0x89: {  	s3 =	sld [smem:$0x3FFE];
	_ =	sdelay $0x1  }
0x8a: {  	s1 =	srdreg.scid  }
0x8b: {  	s0 =	sand.u32 $0x1, s1  }
0x8c: {  	s17 =	sshll.u32 s0, $0xA;
	s2 =	sadd.s32 s3, s2  }
0x8d: {  	s2 =	sadd.s32 s2, s17  }
0x8e: {  	[smem:$0x3FC5] =	sst s2  }
0x8f: {  	_ = 	snop  }
0x90: {  	s2 =	sld [smem:$0x3FC9]  }
0x91: {  	s18 =	sld [smem:$0x3FC8]  }
0x92: {  	s4 =	sld [smem:$0x3FC7];
	(tm) =	ssettm $0x1  }
0x93: {  	s5 =	sld [smem:$0x3FFB];
	_ =	sdelay $0x3  }
0x94: {  	_ =	strace s5  }
0x95: {  	s5 =	sld [smem:$0x3FFC];
	_ =	sdelay $0x3  }
0x96: {  	_ =	strace s5  }
0x97: {  	s5 =	sld [smem:$0x3FFD];
	_ =	sdelay $0x3  }
0x98: {  	_ =	strace s5  }
0x99: {  	_ =	strace $0x8FFFFFFF  }
0x9a: {  	s19 =	sld [smem:$0x3FDB];
	_ =	sdelay $0x1  }
0x9b: {  	s6 =	simm.s32 $_scs_section_size  }
0x9c: {  	s7 =	simm.s32 $_size__tile_overlayer_lowered;
	s8 =	simm.s32 $_tile_overlayer_lowered  }
0x9d: {  	s22 =	simm.s32 $0x1BFF;
	s21 =	sshll.u32 s8, $0x1;
	s5 =	sadd.s32 s6, s19  }
0x9e: {  	s9 =	simm.s32 $0x0;
	s20 =	sshll.u32 s7, $0x1;
	s7 =	sadd.s32 s21, s5  }
0x9f: {  	[timem:s9], [sflag:s22] =	dma.local [hbm:s7], s20  }
0xa0: {  	_ =	swait.ge [sflag:s22], s20  }
0xa1: {  	s6 =	ssub.s32 $0x0, s20;
	[sflag:s22] =	ssyncset.done $0x0  }
0xa2: {  	[sflag:s22] =	ssyncadd.s32 s6;
	_ =	sdelay $0x1  }
0xa3: {  	s23 =	simm.s32 $0x1B8B  }
0xa4: {  	_ =	swait.ge [sflag:s23], $0x1  }
0xa5: {  	[sflag:s23] =	ssyncset.done $0x0  }
0xa6: {  	s25 =	simm.s32 $0x1B8E;
	s24 =	sld [smem:$0x3FFE];
	[sflag:s23] =	ssyncadd.s32 $0xFFFFFFFF  }
0xa7: {  	s26 =	simm.s32 $execute0_lowered;
	[smem:$0x3FD2] =	sst s25  }
0xa8: {  	s7 =	sshll.u32 s26, $0x1;
	_ =	strace $0x80000046;
	[dreg:$0x1] =	wrdreg $0xFFFFFFFF  }
0xa9: {  	s28 =	simm.s32 $_size_execute0_lowered;
	s5 =	sadd.s32 s5, s7;
	[dreg:$0x0] =	wrdreg $0x0  }
0xaa: {  	s7 =	sshll.u32 s28, $0x1;
	[dreg:$0x2] =	wrdreg s5  }
0xab: {  	[dreg:$0x3] =	wrdreg s7  }
0xac: {  	[dreg:$0x4] =	wrdreg $0xC0  }
0xad: {  	_ =	task [dreg:s9], $0x5FFFF  }
0xae: {  	[dreg:$0x1] =	wrdreg $0xFFFFFFFF  }
0xaf: {  	[dreg:$0x0] =	wrdreg $0x60  }
0xb0: {  	[dreg:$0x2] =	wrdreg s2  }
0xb1: {  	[dreg:$0x3] =	wrdreg s18  }
0xb2: {  	[dreg:$0x4] =	wrdreg s4  }
0xb3: {  	[dreg:$0x5] =	wrdreg s24  }
0xb4: {  	[dreg:$0x6] =	wrdreg $0x9  }
0xb5: {  	_ =	task.clear_ibuf [dreg:s9], $0x7FFFF;
	_ =	strace $0x90000046  }
0xb6: {  	s29 =	simm.s32 $0x9;
	_ =	strace $0x80000048  }
0xb7: {  	_ =	swait.ge [sflag:s29], $0x1  }
0xb8: {  	[sflag:s29] =	ssyncadd.s32 $0xFFFFFFFF  }
0xb9: {  	_ =	strace $0x90000048  }
0xba: {  	_ =	sfence  }
0xbb: {  	s30 =	sld [smem:$0x0];
	_ =	sdelay $0x2  }
0xbc: {  	s31 =	sshll.u32 s1, $0xD;
	s1 =	sshrl.u32 s1, $0x2  }
0xbd: {  	s3 =	sand.u32 $0x4000, s31;
	s1 =	sadd.s32 s1, s30  }
0xbe: {  	s0 =	sor.u32 s3, s0;
	s1 =	sshll.u32 s1, $0x11  }
0xbf: {  	s0 =	sor.u32 s1, s0  }
0xc0: {  	s0 =	sadd.s32 $0x8F2B, s0  }
0xc1: {  	[sflag:s0] =	ssyncadd.remote.s32 $0x1  }
0xc2: {  	_ =	sfence.sel $0xFFFF  }
0xc3: {  	[dreg:$0x0] =	wrdreg $0xFFFFFFFF;
	(pc) =	sbr.abs _section_cstart, $3  }
0xc4: {  	[dreg:$0x1] =	wrdreg $0xFFFFFFFF  }
0xc5: {  	_ =	task.clear_ibuf [dreg:s9], $0x2FFFF;
	_ =	strace $0x9FFFFFFF  }
0xc6: {  	(tm) =	ssettm $0x7FFFFFFF  }
0xc7: {  	_ =	shalt  }
tec
execute0_lowered:
.L_overlay_start_1:
0x0: {  	(tag) =	ssettag $0x1  }
0x1: {  	s1 =	rddreg [dreg:$0x0]  }
0x2: {  	s10 =	rddreg [dreg:$0x1]  }
0x3: {  	s9 =	rddreg [dreg:$0x2]  }
0x4: {  	s14 =	rddreg [dreg:$0x3]  }
0x5: {  	s0 =	rddreg [dreg:$0x4]  }
0x6: {  	s4 =	srdreg.scid;
	s2 =	stileid.u32  }
0x7: {  	s3 =	simm.s32 $0x0;
	s21 =	simm.s32 $0x2;
	s22 =	simm.s32 $0x3  }
0x8: {  	s23 =	simm.s32 $0x1E700;
	s24 =	simm.s32 $0x0;
	s4 =	sand.u32 $0x1, s4  }
0x9: {  	s5 =	sshll.u32 s2, $0x1;
	[smem:$0x7FF] =	sst s3;
	s26 =	sshrl.u32 s2, $0x1  }
0xa: {  	s16 =	sadd.s32 $0x1000, s10;
	s17 =	sadd.s32 $0x2000, s10;
	s30 =	sadd.s32 $0x3000, s10  }
0xb: {  	s13 =	sor.u32 s4, s5;
	_ =	strace $0x80000047;
	s8 =	smul.u32 $0xC3800, s26  }
0xc: {  	s4 =	ssub.s32 $0x2, s4;
	s11 =	sshll.u32 s26, $0x11;
	s6 =	sshll.u32 s13, $0x8  }
0xd: {  	s28 =	sshrl.u32 s4, $0x1;
	s31 =	sshll.u32 s13, $0x4;
	s7 =	sand.u32 $0x300, s6  }
0xe: {  	s15 =	ssub.s32 s4, s28;
	s14 =	sadd.s32 s14, s31;
	s6 =	sor.u32 s8, s7  }
0xf: {  	s12 =	sor.u32 s11, s7;
	s18 =	sor.u32 $0x80, s7;
	s15 =	smax.u32 s15, $0x1  }
0x10: {  	s29 =	sshrl.u32 s6, $0x3;
	s12 =	sshrl.u32 s12, $0x3;
	s8 =	sor.u32 s8, s18  }
0x11: {  	s11 =	sor.u32 s11, s18;
	s18 =	simm.s32 $0x18700;
	s4 =	sadd.s32 s9, s29  }
0x12: {  	s5 =	sadd.s32 s10, s12;
	s6 =	sadd.s32 s12, s16;
	s7 =	sadd.s32 s12, s17  }
0x13: {  	s19 =	sshrl.u32 s8, $0x3;
	s20 =	sshrl.u32 s11, $0x3;
	s8 =	sadd.s32 s12, s30  }
0x14: {  	s9 =	sadd.s32 s9, s19;
	s10 =	sadd.s32 s10, s20;
	s11 =	sadd.s32 s20, s16  }
0x15: {  	s12 =	sadd.s32 s20, s17;
	s13 =	sadd.s32 s20, s30;
	s16 =	simm.s32 $0x80  }
0x16: {  	s17 =	simm.s32 $0x400;
	s19 =	simm.s32 $0x4;
	s20 =	simm.s32 $0x1  }
.LBB2_1:
0x17: {  	[tilespmem:s3], [sflag:$0x1] =	stream.strided.gather [hbm4b:s4+s16], $0x18700, s17, s16, $0x38;
	[tilespmem:$0x1E780] =	vst v63  }
0x18: {  	_ = 	snop  }
0x19: {  	[tilespmem:s18], [sflag:$0x4] =	stream.linear.gather [hbm4b:s1+s3], $0x4000, $0x38;
	[tilespmem:$0x1E780] =	vst v63  }
0x1a: {  	_ =	swait.ge [sflag:s19], $0x4000  }
0x1b: {  	s25 =	simm.s32 $0x1C700;
	s26 =	simm.s32 $0x80;
	[sflag:s19] =	ssyncset.done $0x0  }
0x1c: {  	s29 =	sadd.s32 $0x0, s5;
	s28 =	simm.s32 $0x1C800;
	[sflag:s19] =	ssyncadd.s32 $0xFFFFC000  }
.LBB2_2:
0x1d: {  	[tilespmem:s25], [sflag:$0x2] =	stream.linear.gather [hbm4b:s29+s3], $0x80, $0x38;
	[tilespmem:$0x1E780] =	vst v63  }
0x1e: {  	s29 =	smov.u32 s26;
	s25 =	smov.u32 s28;
	p0 =	sne.s32 s26, $0xF80  }
.Ltmp0:
0x1f: {  	s26 =	sadd.s32 $0x80, s26;
	(pc) =	sbr.rel @p0 .LBB2_2-.Ltmp0, $2  }
0x20: {  	_ =	sdelay $0x2  }
0x21: {  	s28 =	sadd.s32 $0x100, s28;
	s29 =	sadd.s32 s29, s5  }
0x22: {  	[tilespmem:s25], [sflag:$0x2] =	stream.linear.gather [hbm4b:s29+s3], $0x80, $0x38;
	[tilespmem:$0x1E780] =	vst v63  }
0x23: {  	_ =	swait.ge [sflag:s20], $0x18700  }
0x24: {  	s25 =	simm.s32 $0x1C780;
	s26 =	simm.s32 $0x80;
	[sflag:s20] =	ssyncset.done $0x0  }
0x25: {  	s29 =	sadd.s32 $0x0, s6;
	s28 =	simm.s32 $0x1C880;
	[sflag:s20] =	ssyncadd.s32 $0xFFFE7900  }
.LBB2_4:
0x26: {  	[tilespmem:s25], [sflag:$0x3] =	stream.linear.gather [hbm4b:s29+s3], $0x80, $0x38;
	[tilespmem:$0x1E780] =	vst v63  }
0x27: {  	s29 =	smov.u32 s26;
	s25 =	smov.u32 s28;
	p0 =	sne.s32 s26, $0xF80  }
.Ltmp1:
0x28: {  	s26 =	sadd.s32 $0x80, s26;
	(pc) =	sbr.rel @p0 .LBB2_4-.Ltmp1, $2  }
0x29: {  	_ =	sdelay $0x2  }
0x2a: {  	s28 =	sadd.s32 $0x100, s28;
	s29 =	sadd.s32 s29, s6  }
0x2b: {  	[tilespmem:s25], [sflag:$0x3] =	stream.linear.gather [hbm4b:s29+s3], $0x80, $0x38;
	[tilespmem:$0x1E780] =	vst v63  }
0x2c: {  	_ =	swait.ge [sflag:s21], $0x1000  }
0x2d: {  	[sflag:s21] =	ssyncset.done $0x0  }
0x2e: {  	s28 =	simm.s32 $0x1C740;
	[sflag:s21] =	ssyncadd.s32 $0xFFFFF000  }
0x2f: {  	v7 =	vld [tilespmem:s28+$0x0]  }
0x30: {  	v0 =	vld [tilespmem:s28+$0x10]  }
0x31: {  	v1 =	vld [tilespmem:s28+$0x20]  }
0x32: {  	v2 =	vld [tilespmem:s28+$0xFFFFFFC0]  }
0x33: {  	v3 =	vld [tilespmem:s28+$0xFFFFFFD0]  }
0x34: {  	v4 =	vld [tilespmem:s28+$0xFFFFFFE0]  }
0x35: {  	s25 =	simm.s32 $0x18740;
	v6 =	vld [tilespmem:s28+$0xFFFFFFF0]  }
0x36: {  	v5 =	vld [tilespmem:s25+$0x0]  }
0x37: {  	v8 =	vld [tilespmem:s25+$0x10]  }
0x38: {  	v9 =	vld [tilespmem:s25+$0xFFFFFFC0]  }
0x39: {  	v10 =	vld [tilespmem:s25+$0xFFFFFFD0]  }
0x3a: {  	v11 =	vld [tilespmem:s25+$0xFFFFFFE0]  }
0x3b: {  	v12 =	vld [tilespmem:s25+$0xFFFFFFF0]  }
0x3c: {  	v18 =	vld [tilespmem:s25+$0x20]  }
0x3d: {  	v19 =	vld [tilespmem:s25+$0x30]  }
0x3e: {  	v20 =	vld.idx.msk [tilespmem:v5+s3+$0x0], $0xffff  }
0x3f: {  	v13 =	vld.idx.msk [tilespmem:v8+s3+$0x0], $0xffff  }
0x40: {  	v17 =	vld.idx.msk [tilespmem:v9+s3+$0x0], $0xffff  }
0x41: {  	v14 =	vld.idx.msk [tilespmem:v10+s3+$0x0], $0xffff  }
0x42: {  	v16 =	vld.idx.msk [tilespmem:v11+s3+$0x0], $0xffff  }
0x43: {  	v15 =	vld.idx.msk [tilespmem:v12+s3+$0x0], $0xffff  }
0x44: {  	v11 =	vld.idx.msk [tilespmem:v18+s3+$0x0], $0xffff  }
0x45: {  	v5 =	vimm.f32 $0.0e+00;
	v10 =	vld.idx.msk [tilespmem:v19+s3+$0x0], $0xffff;
	v9 =	vimm.f32 $0.0e+00  }
0x46: {  	s26 =	simm.s32 $0x0;
	v12 =	vld [tilespmem:s28+$0x30];
	s28 =	simm.s32 $0x1C840;
	v8 =	vimm.f32 $0.0e+00;
	v18 =	vsub.f32 v7, v20;
	v7 =	vimm.f32 $0.0e+00  }
.LBB2_6:
0x47: {  	v19 =	vld [tilespmem:s28+$0x0];
	v17 =	vsub.f32 v2, v17;
	v2 =	vsub.f32 v0, v13  }
0x48: {  	v3 =	vsub.f32 v3, v14;
	v4 =	vsub.f32 v4, v16;
	v0 =	vld [tilespmem:s28+$0x10]  }
0x49: {  	v6 =	vsub.f32 v6, v15;
	v14 =	vmul.f32 v18, v18;
	v13 =	vld [tilespmem:s28+$0x20];
	v15 =	vmul.f32 v2, v2  }
0x4a: {  	v16 =	vmul.f32 v17, v17;
	v17 =	vmul.f32 v3, v3;
	v1 =	vsub.f32 v1, v11;
	v2 =	vld [tilespmem:s28+$0xFFFFFFC0]  }
0x4b: {  	v11 =	vmul.f32 v4, v4;
	v18 =	vmul.f32 v6, v6;
	v3 =	vld [tilespmem:s28+$0xFFFFFFD0];
	v10 =	vsub.f32 v12, v10  }
0x4c: {  	v5 =	vadd.f32 v16, v5;
	v9 =	vadd.f32 v17, v9;
	v12 =	vmul.f32 v1, v1;
	v4 =	vld [tilespmem:s28+$0xFFFFFFE0]  }
0x4d: {  	s25 =	sadd.s32 $0x80, s25;
	v7 =	vadd.f32 v11, v7;
	v8 =	vadd.f32 v18, v8;
	v6 =	vld [tilespmem:s28+$0xFFFFFFF0];
	v10 =	vmul.f32 v10, v10  }
0x4e: {  	v5 =	vadd.f32 v14, v5;
	v9 =	vadd.f32 v15, v9;
	v11 =	vld [tilespmem:s25+$0x0];
	v1 =	vmov v13  }
0x4f: {  	v7 =	vadd.f32 v12, v7;
	v13 =	vld [tilespmem:s25+$0x10];
	v8 =	vadd.f32 v10, v8  }
0x50: {  	v10 =	vld [tilespmem:s25+$0xFFFFFFC0]  }
0x51: {  	v12 =	vld [tilespmem:s25+$0xFFFFFFD0]  }
0x52: {  	v15 =	vld [tilespmem:s25+$0xFFFFFFE0]  }
0x53: {  	s26 =	sadd.s32 $0x8, s26;
	v18 =	vld [tilespmem:s25+$0xFFFFFFF0]  }
0x54: {  	p0 =	slt.u32 s26, $0xF8;
	v20 =	vld [tilespmem:s25+$0x20]  }
0x55: {  	v21 =	vld [tilespmem:s25+$0x30]  }
0x56: {  	v22 =	vld.idx.msk [tilespmem:v11+s3+$0x0], $0xffff  }
0x57: {  	v13 =	vld.idx.msk [tilespmem:v13+s3+$0x0], $0xffff  }
0x58: {  	v17 =	vld.idx.msk [tilespmem:v10+s3+$0x0], $0xffff  }
0x59: {  	v14 =	vld.idx.msk [tilespmem:v12+s3+$0x0], $0xffff  }
.Ltmp2:
0x5a: {  	v16 =	vld.idx.msk [tilespmem:v15+s3+$0x0], $0xffff;
	(pc) =	sbr.rel @p0 .LBB2_6-.Ltmp2, $4  }
0x5b: {  	v15 =	vld.idx.msk [tilespmem:v18+s3+$0x0], $0xffff  }
0x5c: {  	v11 =	vld.idx.msk [tilespmem:v20+s3+$0x0], $0xffff  }
0x5d: {  	v10 =	vld.idx.msk [tilespmem:v21+s3+$0x0], $0xffff  }
0x5e: {  	v18 =	vsub.f32 v19, v22;
	v12 =	vld [tilespmem:s28+$0x30];
	s28 =	sadd.s32 $0x100, s28  }
0x5f: {  	v2 =	vsub.f32 v2, v17;
	v0 =	vsub.f32 v0, v13  }
0x60: {  	v3 =	vsub.f32 v3, v14;
	v4 =	vsub.f32 v4, v16  }
0x61: {  	v6 =	vsub.f32 v6, v15;
	v61 =	vmul.f32 v18, v18;
	v62 =	vmul.f32 v0, v0  }
0x62: {  	v0 =	vmul.f32 v2, v2;
	v2 =	vmul.f32 v3, v3;
	v1 =	vsub.f32 v1, v11  }
0x63: {  	v3 =	vmul.f32 v4, v4;
	v4 =	vmul.f32 v6, v6;
	v63 =	vsub.f32 v12, v10  }
0x64: {  	v0 =	vadd.f32 v0, v5;
	v2 =	vadd.f32 v2, v9;
	v5 =	vmul.f32 v1, v1  }
0x65: {  	v3 =	vadd.f32 v3, v7;
	v4 =	vadd.f32 v4, v8;
	v6 =	vmul.f32 v63, v63  }
0x66: {  	s25 =	simm.s32 $0x1C700;
	v0 =	vadd.f32 v61, v0;
	v1 =	vadd.f32 v62, v2  }
0x67: {  	s26 =	simm.s32 $0x80;
	s29 =	sadd.s32 $0x0, s7;
	s28 =	simm.s32 $0x1C800;
	v2 =	vadd.f32 v5, v3;
	v3 =	vadd.f32 v6, v4  }
.LBB2_8:
0x68: {  	[tilespmem:s25], [sflag:$0x2] =	stream.linear.gather [hbm4b:s29+s3], $0x80, $0x38;
	[tilespmem:$0x1E780] =	vst v63  }
0x69: {  	s29 =	smov.u32 s26;
	s25 =	smov.u32 s28;
	p0 =	sne.s32 s26, $0xF80  }
.Ltmp3:
0x6a: {  	s26 =	sadd.s32 $0x80, s26;
	(pc) =	sbr.rel @p0 .LBB2_8-.Ltmp3, $2  }
0x6b: {  	_ =	sdelay $0x2  }
0x6c: {  	s28 =	sadd.s32 $0x100, s28;
	s29 =	sadd.s32 s29, s7  }
0x6d: {  	[tilespmem:s25], [sflag:$0x2] =	stream.linear.gather [hbm4b:s29+s3], $0x80, $0x38;
	[tilespmem:$0x1E780] =	vst v63  }
0x6e: {  	_ =	swait.ge [sflag:s22], $0x1000  }
0x6f: {  	[sflag:s22] =	ssyncset.done $0x0  }
0x70: {  	s28 =	simm.s32 $0x1C7F0;
	[sflag:s22] =	ssyncadd.s32 $0xFFFFF000  }
0x71: {  	v12 =	vld [tilespmem:s28+$0xFFFFFFD0]  }
0x72: {  	v4 =	vld [tilespmem:s28+$0xFFFFFFE0]  }
0x73: {  	v5 =	vld [tilespmem:s28+$0xFFFFFFF0]  }
0x74: {  	v6 =	vld [tilespmem:s28+$0xFFFFFF90]  }
0x75: {  	v7 =	vld [tilespmem:s28+$0xFFFFFFA0]  }
0x76: {  	v8 =	vld [tilespmem:s28+$0xFFFFFFB0]  }
0x77: {  	s25 =	simm.s32 $0x19770;
	v9 =	vld [tilespmem:s28+$0xFFFFFFC0]  }
0x78: {  	v10 =	vld [tilespmem:s25+$0xFFFFFFD0]  }
0x79: {  	v11 =	vld [tilespmem:s25+$0xFFFFFFE0]  }
0x7a: {  	v14 =	vld [tilespmem:s25+$0xFFFFFF90]  }
0x7b: {  	v15 =	vld [tilespmem:s25+$0xFFFFFFA0]  }
0x7c: {  	v16 =	vld [tilespmem:s25+$0xFFFFFFB0]  }
0x7d: {  	v18 =	vld [tilespmem:s25+$0xFFFFFFC0]  }
0x7e: {  	v19 =	vld [tilespmem:s25+$0xFFFFFFF0]  }
0x7f: {  	v20 =	vld [tilespmem:s25+$0x0]  }
0x80: {  	v21 =	vld.idx.msk [tilespmem:v10+s3+$0x0], $0xffff  }
0x81: {  	v13 =	vld.idx.msk [tilespmem:v11+s3+$0x0], $0xffff  }
0x82: {  	v17 =	vld.idx.msk [tilespmem:v14+s3+$0x0], $0xffff  }
0x83: {  	v14 =	vld.idx.msk [tilespmem:v15+s3+$0x0], $0xffff  }
0x84: {  	v16 =	vld.idx.msk [tilespmem:v16+s3+$0x0], $0xffff  }
0x85: {  	v15 =	vld.idx.msk [tilespmem:v18+s3+$0x0], $0xffff  }
0x86: {  	v11 =	vld.idx.msk [tilespmem:v19+s3+$0x0], $0xffff  }
0x87: {  	v10 =	vld.idx.msk [tilespmem:v20+s3+$0x0], $0xffff  }
0x88: {  	s26 =	simm.s32 $0x0;
	v18 =	vsub.f32 v12, v21;
	v12 =	vld [tilespmem:s28+$0x0];
	s28 =	simm.s32 $0x1C8F0  }
.LBB2_10:
0x89: {  	v19 =	vld [tilespmem:s28+$0xFFFFFFD0];
	v17 =	vsub.f32 v6, v17;
	v6 =	vsub.f32 v4, v13  }
0x8a: {  	v7 =	vsub.f32 v7, v14;
	v8 =	vsub.f32 v8, v16;
	v4 =	vld [tilespmem:s28+$0xFFFFFFE0]  }
0x8b: {  	v9 =	vsub.f32 v9, v15;
	v14 =	vmul.f32 v18, v18;
	v13 =	vld [tilespmem:s28+$0xFFFFFFF0];
	v15 =	vmul.f32 v6, v6  }
0x8c: {  	v16 =	vmul.f32 v17, v17;
	v17 =	vmul.f32 v7, v7;
	v5 =	vsub.f32 v5, v11;
	v6 =	vld [tilespmem:s28+$0xFFFFFF90]  }
0x8d: {  	v11 =	vmul.f32 v8, v8;
	v18 =	vmul.f32 v9, v9;
	v7 =	vld [tilespmem:s28+$0xFFFFFFA0];
	v10 =	vsub.f32 v12, v10  }
0x8e: {  	v0 =	vadd.f32 v16, v0;
	v1 =	vadd.f32 v17, v1;
	v12 =	vmul.f32 v5, v5;
	v8 =	vld [tilespmem:s28+$0xFFFFFFB0]  }
0x8f: {  	s25 =	sadd.s32 $0x80, s25;
	v2 =	vadd.f32 v11, v2;
	v3 =	vadd.f32 v18, v3;
	v9 =	vld [tilespmem:s28+$0xFFFFFFC0];
	v10 =	vmul.f32 v10, v10  }
0x90: {  	v0 =	vadd.f32 v14, v0;
	v1 =	vadd.f32 v15, v1;
	v11 =	vld [tilespmem:s25+$0xFFFFFFD0];
	v5 =	vmov v13  }
0x91: {  	v2 =	vadd.f32 v12, v2;
	v13 =	vld [tilespmem:s25+$0xFFFFFFE0];
	v3 =	vadd.f32 v10, v3  }
0x92: {  	v10 =	vld [tilespmem:s25+$0xFFFFFF90]  }
0x93: {  	v12 =	vld [tilespmem:s25+$0xFFFFFFA0]  }
0x94: {  	v15 =	vld [tilespmem:s25+$0xFFFFFFB0]  }
0x95: {  	s26 =	sadd.s32 $0x8, s26;
	v18 =	vld [tilespmem:s25+$0xFFFFFFC0]  }
0x96: {  	p0 =	slt.u32 s26, $0xF8;
	v20 =	vld [tilespmem:s25+$0xFFFFFFF0]  }
0x97: {  	v21 =	vld [tilespmem:s25+$0x0]  }
0x98: {  	v22 =	vld.idx.msk [tilespmem:v11+s3+$0x0], $0xffff  }
0x99: {  	v13 =	vld.idx.msk [tilespmem:v13+s3+$0x0], $0xffff  }
0x9a: {  	v17 =	vld.idx.msk [tilespmem:v10+s3+$0x0], $0xffff  }
0x9b: {  	v14 =	vld.idx.msk [tilespmem:v12+s3+$0x0], $0xffff  }
.Ltmp4:
0x9c: {  	v16 =	vld.idx.msk [tilespmem:v15+s3+$0x0], $0xffff;
	(pc) =	sbr.rel @p0 .LBB2_10-.Ltmp4, $4  }
0x9d: {  	v15 =	vld.idx.msk [tilespmem:v18+s3+$0x0], $0xffff  }
0x9e: {  	v11 =	vld.idx.msk [tilespmem:v20+s3+$0x0], $0xffff  }
0x9f: {  	v10 =	vld.idx.msk [tilespmem:v21+s3+$0x0], $0xffff  }
0xa0: {  	v18 =	vsub.f32 v19, v22;
	v12 =	vld [tilespmem:s28+$0x0];
	s28 =	sadd.s32 $0x100, s28  }
0xa1: {  	v6 =	vsub.f32 v6, v17;
	v4 =	vsub.f32 v4, v13  }
0xa2: {  	v7 =	vsub.f32 v7, v14;
	v8 =	vsub.f32 v8, v16  }
0xa3: {  	v9 =	vsub.f32 v9, v15;
	v60 =	vmul.f32 v18, v18;
	v4 =	vmul.f32 v4, v4  }
0xa4: {  	v6 =	vmul.f32 v6, v6;
	v7 =	vmul.f32 v7, v7;
	v5 =	vsub.f32 v5, v11  }
0xa5: {  	v8 =	vmul.f32 v8, v8;
	v9 =	vmul.f32 v9, v9;
	v10 =	vsub.f32 v12, v10  }
0xa6: {  	v0 =	vadd.f32 v6, v0;
	v1 =	vadd.f32 v7, v1;
	v5 =	vmul.f32 v5, v5  }
0xa7: {  	v61 =	vadd.f32 v8, v2;
	v62 =	vadd.f32 v9, v3;
	v63 =	vmul.f32 v10, v10  }
0xa8: {  	s25 =	simm.s32 $0x1C780;
	v3 =	vadd.f32 v60, v0;
	v2 =	vadd.f32 v4, v1  }
0xa9: {  	s26 =	simm.s32 $0x80;
	s29 =	sadd.s32 $0x0, s8;
	s28 =	simm.s32 $0x1C880;
	v1 =	vadd.f32 v5, v61;
	v0 =	vadd.f32 v63, v62  }
.LBB2_12:
0xaa: {  	[tilespmem:s25], [sflag:$0x3] =	stream.linear.gather [hbm4b:s29+s3], $0x80, $0x38;
	[tilespmem:$0x1E780] =	vst v63  }
0xab: {  	s29 =	smov.u32 s26;
	s25 =	smov.u32 s28;
	p0 =	sne.s32 s26, $0xF80  }
.Ltmp5:
0xac: {  	s26 =	sadd.s32 $0x80, s26;
	(pc) =	sbr.rel @p0 .LBB2_12-.Ltmp5, $2  }
0xad: {  	_ =	sdelay $0x2  }
0xae: {  	s28 =	sadd.s32 $0x100, s28;
	s29 =	sadd.s32 s29, s8  }
0xaf: {  	[tilespmem:s25], [sflag:$0x3] =	stream.linear.gather [hbm4b:s29+s3], $0x80, $0x38;
	[tilespmem:$0x1E780] =	vst v63  }
0xb0: {  	_ =	swait.ge [sflag:s21], $0x1000  }
0xb1: {  	[sflag:s21] =	ssyncset.done $0x0  }
0xb2: {  	s28 =	simm.s32 $0x1C740;
	[sflag:s21] =	ssyncadd.s32 $0xFFFFF000  }
0xb3: {  	v4 =	vld [tilespmem:s28+$0x0]  }
0xb4: {  	v5 =	vld [tilespmem:s28+$0x10]  }
0xb5: {  	v9 =	vld [tilespmem:s28+$0x20]  }
0xb6: {  	v10 =	vld [tilespmem:s28+$0xFFFFFFC0]  }
0xb7: {  	v11 =	vld [tilespmem:s28+$0xFFFFFFD0]  }
0xb8: {  	v13 =	vld [tilespmem:s28+$0xFFFFFFE0]  }
0xb9: {  	s25 =	simm.s32 $0x1A770;
	v14 =	vld [tilespmem:s28+$0xFFFFFFF0]  }
0xba: {  	v6 =	vld [tilespmem:s25+$0xFFFFFFD0]  }
0xbb: {  	v7 =	vld [tilespmem:s25+$0xFFFFFFE0]  }
0xbc: {  	v8 =	vld [tilespmem:s25+$0xFFFFFF90]  }
0xbd: {  	v12 =	vld [tilespmem:s25+$0xFFFFFFA0]  }
0xbe: {  	v15 =	vld [tilespmem:s25+$0xFFFFFFB0]  }
0xbf: {  	v16 =	vld [tilespmem:s25+$0xFFFFFFC0]  }
0xc0: {  	v17 =	vld [tilespmem:s25+$0xFFFFFFF0]  }
0xc1: {  	v18 =	vld [tilespmem:s25+$0x0]  }
0xc2: {  	v6 =	vld.idx.msk [tilespmem:v6+s3+$0x0], $0xffff  }
0xc3: {  	v19 =	vld.idx.msk [tilespmem:v7+s3+$0x0], $0xffff  }
0xc4: {  	v24 =	vld.idx.msk [tilespmem:v8+s3+$0x0], $0xffff  }
0xc5: {  	v23 =	vld.idx.msk [tilespmem:v12+s3+$0x0], $0xffff  }
0xc6: {  	v22 =	vld.idx.msk [tilespmem:v15+s3+$0x0], $0xffff  }
0xc7: {  	v20 =	vld.idx.msk [tilespmem:v16+s3+$0x0], $0xffff  }
0xc8: {  	v17 =	vld.idx.msk [tilespmem:v17+s3+$0x0], $0xffff  }
0xc9: {  	v16 =	vld.idx.msk [tilespmem:v18+s3+$0x0], $0xffff  }
0xca: {  	s26 =	simm.s32 $0x0;
	v18 =	vld [tilespmem:s28+$0x30];
	s28 =	simm.s32 $0x1C840;
	v21 =	vsub.f32 v4, v6  }
.LBB2_14:
0xcb: {  	v4 =	vld [tilespmem:s28+$0x0];
	v6 =	vsub.f32 v10, v24;
	v7 =	vsub.f32 v5, v19  }
0xcc: {  	v8 =	vsub.f32 v11, v23;
	v12 =	vsub.f32 v13, v22;
	v5 =	vld [tilespmem:s28+$0x10]  }
0xcd: {  	v13 =	vsub.f32 v14, v20;
	v19 =	vmul.f32 v21, v21;
	v15 =	vld [tilespmem:s28+$0x20];
	v7 =	vmul.f32 v7, v7  }
0xce: {  	v6 =	vmul.f32 v6, v6;
	v8 =	vmul.f32 v8, v8;
	v9 =	vsub.f32 v9, v17;
	v10 =	vld [tilespmem:s28+$0xFFFFFFC0]  }
0xcf: {  	v12 =	vmul.f32 v12, v12;
	v17 =	vmul.f32 v13, v13;
	v11 =	vld [tilespmem:s28+$0xFFFFFFD0];
	v16 =	vsub.f32 v18, v16  }
0xd0: {  	v3 =	vadd.f32 v6, v3;
	v2 =	vadd.f32 v8, v2;
	v6 =	vmul.f32 v9, v9;
	v13 =	vld [tilespmem:s28+$0xFFFFFFE0]  }
0xd1: {  	s25 =	sadd.s32 $0x80, s25;
	v1 =	vadd.f32 v12, v1;
	v0 =	vadd.f32 v17, v0;
	v14 =	vld [tilespmem:s28+$0xFFFFFFF0];
	v8 =	vmul.f32 v16, v16  }
0xd2: {  	v3 =	vadd.f32 v19, v3;
	v2 =	vadd.f32 v7, v2;
	v12 =	vld [tilespmem:s25+$0xFFFFFFD0];
	v9 =	vmov v15  }
0xd3: {  	v1 =	vadd.f32 v6, v1;
	v7 =	vld [tilespmem:s25+$0xFFFFFFE0];
	v0 =	vadd.f32 v8, v0  }
0xd4: {  	v6 =	vld [tilespmem:s25+$0xFFFFFF90]  }
0xd5: {  	v8 =	vld [tilespmem:s25+$0xFFFFFFA0]  }
0xd6: {  	v15 =	vld [tilespmem:s25+$0xFFFFFFB0]  }
0xd7: {  	s26 =	sadd.s32 $0x8, s26;
	v16 =	vld [tilespmem:s25+$0xFFFFFFC0]  }
0xd8: {  	p0 =	slt.u32 s26, $0xF8;
	v17 =	vld [tilespmem:s25+$0xFFFFFFF0]  }
0xd9: {  	v18 =	vld [tilespmem:s25+$0x0]  }
0xda: {  	v12 =	vld.idx.msk [tilespmem:v12+s3+$0x0], $0xffff  }
0xdb: {  	v19 =	vld.idx.msk [tilespmem:v7+s3+$0x0], $0xffff  }
0xdc: {  	v24 =	vld.idx.msk [tilespmem:v6+s3+$0x0], $0xffff  }
0xdd: {  	v23 =	vld.idx.msk [tilespmem:v8+s3+$0x0], $0xffff  }
.Ltmp6:
0xde: {  	v22 =	vld.idx.msk [tilespmem:v15+s3+$0x0], $0xffff;
	(pc) =	sbr.rel @p0 .LBB2_14-.Ltmp6, $4  }
0xdf: {  	v20 =	vld.idx.msk [tilespmem:v16+s3+$0x0], $0xffff  }
0xe0: {  	v17 =	vld.idx.msk [tilespmem:v17+s3+$0x0], $0xffff  }
0xe1: {  	v16 =	vld.idx.msk [tilespmem:v18+s3+$0x0], $0xffff  }
0xe2: {  	v21 =	vsub.f32 v4, v12;
	v18 =	vld [tilespmem:s28+$0x30];
	s28 =	sadd.s32 $0x100, s28  }
0xe3: {  	_ =	swait.ge [sflag:s22], $0x1000  }
0xe4: {  	[sflag:s22] =	ssyncset.done $0x0  }
0xe5: {  	s28 =	simm.s32 $0x1C7F0;
	[sflag:s22] =	ssyncadd.s32 $0xFFFFF000  }
0xe6: {  	v25 =	vld [tilespmem:s28+$0xFFFFFFD0]  }
0xe7: {  	v4 =	vld [tilespmem:s28+$0xFFFFFFE0]  }
0xe8: {  	v6 =	vld [tilespmem:s28+$0xFFFFFFF0]  }
0xe9: {  	v7 =	vld [tilespmem:s28+$0xFFFFFF90]  }
0xea: {  	v8 =	vld [tilespmem:s28+$0xFFFFFFA0]  }
0xeb: {  	v12 =	vld [tilespmem:s28+$0xFFFFFFB0]  }
0xec: {  	s25 =	simm.s32 $0x1B770;
	v15 =	vld [tilespmem:s28+$0xFFFFFFC0]  }
0xed: {  	v26 =	vld [tilespmem:s25+$0xFFFFFFD0]  }
0xee: {  	v10 =	vsub.f32 v10, v24;
	v27 =	vld [tilespmem:s25+$0xFFFFFFE0]  }
0xef: {  	v11 =	vsub.f32 v11, v23;
	v14 =	vsub.f32 v14, v20;
	v28 =	vld [tilespmem:s25+$0xFFFFFF90]  }
0xf0: {  	v19 =	vsub.f32 v5, v19;
	v63 =	vmul.f32 v10, v10;
	v9 =	vsub.f32 v9, v17;
	v29 =	vld [tilespmem:s25+$0xFFFFFFA0]  }
0xf1: {  	v17 =	vmul.f32 v11, v11;
	v30 =	vld [tilespmem:s25+$0xFFFFFFB0];
	v20 =	vmul.f32 v14, v14;
	v16 =	vsub.f32 v18, v16  }
0xf2: {  	v19 =	vmul.f32 v19, v19;
	v31 =	vld [tilespmem:s25+$0xFFFFFFC0];
	v3 =	vadd.f32 v63, v3;
	v18 =	vmul.f32 v21, v21  }
0xf3: {  	v32 =	vld [tilespmem:s25+$0xFFFFFFF0];
	v2 =	vadd.f32 v17, v2;
	v20 =	vadd.f32 v20, v0;
	v16 =	vmul.f32 v16, v16  }
0xf4: {  	v61 =	vld [tilespmem:s25+$0x0];
	v0 =	vadd.f32 v18, v3  }
0xf5: {  	v3 =	vadd.f32 v19, v2;
	v2 =	vadd.f32 v16, v20;
	v16 =	vld [tilespmem:s28+$0x0]  }
0xf6: {  	v62 =	vld.idx.msk [tilespmem:v26+s3+$0x0], $0xffff  }
0xf7: {  	v13 =	vsub.f32 v13, v22;
	v5 =	vld.idx.msk [tilespmem:v27+s3+$0x0], $0xffff  }
0xf8: {  	v10 =	vld.idx.msk [tilespmem:v28+s3+$0x0], $0xffff  }
0xf9: {  	v13 =	vmul.f32 v13, v13;
	v11 =	vld.idx.msk [tilespmem:v29+s3+$0x0], $0xffff  }
0xfa: {  	v14 =	vld.idx.msk [tilespmem:v30+s3+$0x0], $0xffff  }
0xfb: {  	v1 =	vadd.f32 v13, v1;
	v9 =	vmul.f32 v9, v9;
	v17 =	vld.idx.msk [tilespmem:v31+s3+$0x0], $0xffff  }
0xfc: {  	v13 =	vld.idx.msk [tilespmem:v32+s3+$0x0], $0xffff  }
0xfd: {  	s26 =	simm.s32 $0x0;
	v1 =	vadd.f32 v9, v1;
	s28 =	simm.s32 $0x1C8F0;
	v9 =	vld.idx.msk [tilespmem:v61+s3+$0x0], $0xffff;
	v18 =	vsub.f32 v25, v62  }
.LBB2_16:
0xfe: {  	v19 =	vld [tilespmem:s28+$0xFFFFFFD0];
	v10 =	vsub.f32 v7, v10;
	v5 =	vsub.f32 v4, v5  }
0xff: {  	v8 =	vsub.f32 v8, v11;
	v11 =	vsub.f32 v12, v14;
	v4 =	vld [tilespmem:s28+$0xFFFFFFE0]  }
0x100: {  	v12 =	vsub.f32 v15, v17;
	v17 =	vmul.f32 v18, v18;
	v14 =	vld [tilespmem:s28+$0xFFFFFFF0];
	v5 =	vmul.f32 v5, v5  }
0x101: {  	v10 =	vmul.f32 v10, v10;
	v15 =	vmul.f32 v8, v8;
	v6 =	vsub.f32 v6, v13;
	v7 =	vld [tilespmem:s28+$0xFFFFFF90]  }
0x102: {  	v11 =	vmul.f32 v11, v11;
	v13 =	vmul.f32 v12, v12;
	v8 =	vld [tilespmem:s28+$0xFFFFFFA0];
	v9 =	vsub.f32 v16, v9  }
0x103: {  	v0 =	vadd.f32 v10, v0;
	v3 =	vadd.f32 v15, v3;
	v10 =	vmul.f32 v6, v6;
	v12 =	vld [tilespmem:s28+$0xFFFFFFB0]  }
0x104: {  	s25 =	sadd.s32 $0x80, s25;
	v1 =	vadd.f32 v11, v1;
	v2 =	vadd.f32 v13, v2;
	v15 =	vld [tilespmem:s28+$0xFFFFFFC0];
	v9 =	vmul.f32 v9, v9  }
0x105: {  	v0 =	vadd.f32 v17, v0;
	v3 =	vadd.f32 v5, v3;
	v11 =	vld [tilespmem:s25+$0xFFFFFFD0];
	v6 =	vmov v14  }
0x106: {  	v1 =	vadd.f32 v10, v1;
	v5 =	vld [tilespmem:s25+$0xFFFFFFE0];
	v2 =	vadd.f32 v9, v2  }
0x107: {  	v9 =	vld [tilespmem:s25+$0xFFFFFF90]  }
0x108: {  	v13 =	vld [tilespmem:s25+$0xFFFFFFA0]  }
0x109: {  	v14 =	vld [tilespmem:s25+$0xFFFFFFB0]  }
0x10a: {  	s26 =	sadd.s32 $0x8, s26;
	v16 =	vld [tilespmem:s25+$0xFFFFFFC0]  }
0x10b: {  	p0 =	slt.u32 s26, $0xF8;
	v18 =	vld [tilespmem:s25+$0xFFFFFFF0]  }
0x10c: {  	v20 =	vld [tilespmem:s25+$0x0]  }
0x10d: {  	v21 =	vld.idx.msk [tilespmem:v11+s3+$0x0], $0xffff  }
0x10e: {  	v5 =	vld.idx.msk [tilespmem:v5+s3+$0x0], $0xffff  }
0x10f: {  	v10 =	vld.idx.msk [tilespmem:v9+s3+$0x0], $0xffff  }
0x110: {  	v11 =	vld.idx.msk [tilespmem:v13+s3+$0x0], $0xffff  }
.Ltmp7:
0x111: {  	v14 =	vld.idx.msk [tilespmem:v14+s3+$0x0], $0xffff;
	(pc) =	sbr.rel @p0 .LBB2_16-.Ltmp7, $4  }
0x112: {  	v17 =	vld.idx.msk [tilespmem:v16+s3+$0x0], $0xffff  }
0x113: {  	v13 =	vld.idx.msk [tilespmem:v18+s3+$0x0], $0xffff  }
0x114: {  	v9 =	vld.idx.msk [tilespmem:v20+s3+$0x0], $0xffff  }
0x115: {  	v18 =	vsub.f32 v19, v21;
	v16 =	vld [tilespmem:s28+$0x0];
	s28 =	sadd.s32 $0x100, s28  }
0x116: {  	v7 =	vsub.f32 v7, v10;
	v4 =	vsub.f32 v4, v5  }
0x117: {  	v5 =	vsub.f32 v8, v11;
	v58 =	vsub.f32 v12, v14  }
0x118: {  	v59 =	vsub.f32 v15, v17;
	v60 =	vmul.f32 v18, v18;
	v4 =	vmul.f32 v4, v4  }
0x119: {  	v7 =	vmul.f32 v7, v7;
	v5 =	vmul.f32 v5, v5;
	v6 =	vsub.f32 v6, v13  }
0x11a: {  	v8 =	vmul.f32 v58, v58;
	v10 =	vmul.f32 v59, v59;
	v9 =	vsub.f32 v16, v9  }
0x11b: {  	v0 =	vadd.f32 v7, v0;
	v3 =	vadd.f32 v5, v3;
	v5 =	vmul.f32 v6, v6  }
0x11c: {  	s25 =	simm.s32 $0x0;
	s26 =	simm.s32 $0x80;
	v61 =	vadd.f32 v8, v1;
	v62 =	vadd.f32 v10, v2;
	v63 =	vmul.f32 v9, v9  }
0x11d: {  	[tilespmem:s25], [sflag:$0x1] =	stream.strided.gather [hbm4b:s9+s16], $0x18700, s17, s16, $0x38;
	v0 =	vadd.f32 v60, v0;
	v1 =	vadd.f32 v4, v3;
	[tilespmem:$0x1E780] =	vst v63  }
0x11e: {  	s29 =	sadd.s32 $0x0, s10;
	s28 =	simm.s32 $0x1C800;
	s25 =	simm.s32 $0x1C700;
	v2 =	vadd.f32 v5, v61;
	v3 =	vadd.f32 v63, v62  }
.LBB2_18:
0x11f: {  	[tilespmem:s25], [sflag:$0x2] =	stream.linear.gather [hbm4b:s29+s3], $0x80, $0x38;
	[tilespmem:$0x1E780] =	vst v63  }
0x120: {  	s29 =	smov.u32 s26;
	s25 =	smov.u32 s28;
	p0 =	sne.s32 s26, $0xF80  }
.Ltmp8:
0x121: {  	s26 =	sadd.s32 $0x80, s26;
	(pc) =	sbr.rel @p0 .LBB2_18-.Ltmp8, $2  }
0x122: {  	_ =	sdelay $0x2  }
0x123: {  	s28 =	sadd.s32 $0x100, s28;
	s29 =	sadd.s32 s29, s10  }
0x124: {  	[tilespmem:s25], [sflag:$0x2] =	stream.linear.gather [hbm4b:s29+s3], $0x80, $0x38;
	[tilespmem:$0x1E780] =	vst v63  }
0x125: {  	_ =	swait.ge [sflag:s20], $0x18700  }
0x126: {  	s25 =	simm.s32 $0x1C780;
	s26 =	simm.s32 $0x80;
	[sflag:s20] =	ssyncset.done $0x0  }
0x127: {  	s29 =	sadd.s32 $0x0, s11;
	s28 =	simm.s32 $0x1C880;
	[sflag:s20] =	ssyncadd.s32 $0xFFFE7900  }
.LBB2_20:
0x128: {  	[tilespmem:s25], [sflag:$0x3] =	stream.linear.gather [hbm4b:s29+s3], $0x80, $0x38;
	[tilespmem:$0x1E780] =	vst v63  }
0x129: {  	s29 =	smov.u32 s26;
	s25 =	smov.u32 s28;
	p0 =	sne.s32 s26, $0xF80  }
.Ltmp9:
0x12a: {  	s26 =	sadd.s32 $0x80, s26;
	(pc) =	sbr.rel @p0 .LBB2_20-.Ltmp9, $2  }
0x12b: {  	_ =	sdelay $0x2  }
0x12c: {  	s28 =	sadd.s32 $0x100, s28;
	s29 =	sadd.s32 s29, s11  }
0x12d: {  	[tilespmem:s25], [sflag:$0x3] =	stream.linear.gather [hbm4b:s29+s3], $0x80, $0x38;
	[tilespmem:$0x1E780] =	vst v63  }
0x12e: {  	_ =	swait.ge [sflag:s21], $0x1000  }
0x12f: {  	[sflag:s21] =	ssyncset.done $0x0  }
0x130: {  	s28 =	simm.s32 $0x1C740;
	[sflag:s21] =	ssyncadd.s32 $0xFFFFF000  }
0x131: {  	v12 =	vld [tilespmem:s28+$0x0]  }
0x132: {  	v4 =	vld [tilespmem:s28+$0x10]  }
0x133: {  	v5 =	vld [tilespmem:s28+$0x20]  }
0x134: {  	v6 =	vld [tilespmem:s28+$0xFFFFFFC0]  }
0x135: {  	v7 =	vld [tilespmem:s28+$0xFFFFFFD0]  }
0x136: {  	v8 =	vld [tilespmem:s28+$0xFFFFFFE0]  }
0x137: {  	s25 =	simm.s32 $0x18740;
	v9 =	vld [tilespmem:s28+$0xFFFFFFF0]  }
0x138: {  	v10 =	vld [tilespmem:s25+$0x0]  }
0x139: {  	v11 =	vld [tilespmem:s25+$0x10]  }
0x13a: {  	v14 =	vld [tilespmem:s25+$0xFFFFFFC0]  }
0x13b: {  	v15 =	vld [tilespmem:s25+$0xFFFFFFD0]  }
0x13c: {  	v16 =	vld [tilespmem:s25+$0xFFFFFFE0]  }
0x13d: {  	v18 =	vld [tilespmem:s25+$0xFFFFFFF0]  }
0x13e: {  	v19 =	vld [tilespmem:s25+$0x20]  }
0x13f: {  	v20 =	vld [tilespmem:s25+$0x30]  }
0x140: {  	v21 =	vld.idx.msk [tilespmem:v10+s3+$0x0], $0xffff  }
0x141: {  	v13 =	vld.idx.msk [tilespmem:v11+s3+$0x0], $0xffff  }
0x142: {  	v17 =	vld.idx.msk [tilespmem:v14+s3+$0x0], $0xffff  }
0x143: {  	v14 =	vld.idx.msk [tilespmem:v15+s3+$0x0], $0xffff  }
0x144: {  	v16 =	vld.idx.msk [tilespmem:v16+s3+$0x0], $0xffff  }
0x145: {  	v15 =	vld.idx.msk [tilespmem:v18+s3+$0x0], $0xffff  }
0x146: {  	v11 =	vld.idx.msk [tilespmem:v19+s3+$0x0], $0xffff  }
0x147: {  	v10 =	vld.idx.msk [tilespmem:v20+s3+$0x0], $0xffff  }
0x148: {  	s26 =	simm.s32 $0x0;
	v18 =	vsub.f32 v12, v21;
	v12 =	vld [tilespmem:s28+$0x30];
	s28 =	simm.s32 $0x1C840  }
.LBB2_22:
0x149: {  	v19 =	vld [tilespmem:s28+$0x0];
	v17 =	vsub.f32 v6, v17;
	v6 =	vsub.f32 v4, v13  }
0x14a: {  	v7 =	vsub.f32 v7, v14;
	v8 =	vsub.f32 v8, v16;
	v4 =	vld [tilespmem:s28+$0x10]  }
0x14b: {  	v9 =	vsub.f32 v9, v15;
	v14 =	vmul.f32 v18, v18;
	v13 =	vld [tilespmem:s28+$0x20];
	v15 =	vmul.f32 v6, v6  }
0x14c: {  	v16 =	vmul.f32 v17, v17;
	v17 =	vmul.f32 v7, v7;
	v5 =	vsub.f32 v5, v11;
	v6 =	vld [tilespmem:s28+$0xFFFFFFC0]  }
0x14d: {  	v11 =	vmul.f32 v8, v8;
	v18 =	vmul.f32 v9, v9;
	v7 =	vld [tilespmem:s28+$0xFFFFFFD0];
	v10 =	vsub.f32 v12, v10  }
0x14e: {  	v0 =	vadd.f32 v16, v0;
	v1 =	vadd.f32 v17, v1;
	v12 =	vmul.f32 v5, v5;
	v8 =	vld [tilespmem:s28+$0xFFFFFFE0]  }
0x14f: {  	s25 =	sadd.s32 $0x80, s25;
	v2 =	vadd.f32 v11, v2;
	v3 =	vadd.f32 v18, v3;
	v9 =	vld [tilespmem:s28+$0xFFFFFFF0];
	v10 =	vmul.f32 v10, v10  }
0x150: {  	v0 =	vadd.f32 v14, v0;
	v1 =	vadd.f32 v15, v1;
	v11 =	vld [tilespmem:s25+$0x0];
	v5 =	vmov v13  }
0x151: {  	v2 =	vadd.f32 v12, v2;
	v13 =	vld [tilespmem:s25+$0x10];
	v3 =	vadd.f32 v10, v3  }
0x152: {  	v10 =	vld [tilespmem:s25+$0xFFFFFFC0]  }
0x153: {  	v12 =	vld [tilespmem:s25+$0xFFFFFFD0]  }
0x154: {  	v15 =	vld [tilespmem:s25+$0xFFFFFFE0]  }
0x155: {  	s26 =	sadd.s32 $0x8, s26;
	v18 =	vld [tilespmem:s25+$0xFFFFFFF0]  }
0x156: {  	p0 =	slt.u32 s26, $0xF8;
	v20 =	vld [tilespmem:s25+$0x20]  }
0x157: {  	v21 =	vld [tilespmem:s25+$0x30]  }
0x158: {  	v22 =	vld.idx.msk [tilespmem:v11+s3+$0x0], $0xffff  }
0x159: {  	v13 =	vld.idx.msk [tilespmem:v13+s3+$0x0], $0xffff  }
0x15a: {  	v17 =	vld.idx.msk [tilespmem:v10+s3+$0x0], $0xffff  }
0x15b: {  	v14 =	vld.idx.msk [tilespmem:v12+s3+$0x0], $0xffff  }
.Ltmp10:
0x15c: {  	v16 =	vld.idx.msk [tilespmem:v15+s3+$0x0], $0xffff;
	(pc) =	sbr.rel @p0 .LBB2_22-.Ltmp10, $4  }
0x15d: {  	v15 =	vld.idx.msk [tilespmem:v18+s3+$0x0], $0xffff  }
0x15e: {  	v11 =	vld.idx.msk [tilespmem:v20+s3+$0x0], $0xffff  }
0x15f: {  	v10 =	vld.idx.msk [tilespmem:v21+s3+$0x0], $0xffff  }
0x160: {  	v18 =	vsub.f32 v19, v22;
	v12 =	vld [tilespmem:s28+$0x30];
	s28 =	sadd.s32 $0x100, s28  }
0x161: {  	v6 =	vsub.f32 v6, v17;
	v4 =	vsub.f32 v4, v13  }
0x162: {  	v7 =	vsub.f32 v7, v14;
	v8 =	vsub.f32 v8, v16  }
0x163: {  	v9 =	vsub.f32 v9, v15;
	v62 =	vmul.f32 v18, v18;
	v4 =	vmul.f32 v4, v4  }
0x164: {  	v6 =	vmul.f32 v6, v6;
	v7 =	vmul.f32 v7, v7;
	v5 =	vsub.f32 v5, v11  }
0x165: {  	v8 =	vmul.f32 v8, v8;
	v9 =	vmul.f32 v9, v9;
	v10 =	vsub.f32 v12, v10  }
0x166: {  	v0 =	vadd.f32 v6, v0;
	v1 =	vadd.f32 v7, v1;
	v5 =	vmul.f32 v5, v5  }
0x167: {  	v2 =	vadd.f32 v8, v2;
	v3 =	vadd.f32 v9, v3;
	v63 =	vmul.f32 v10, v10  }
0x168: {  	s25 =	simm.s32 $0x1C700;
	v0 =	vadd.f32 v62, v0;
	v1 =	vadd.f32 v4, v1  }
0x169: {  	s26 =	simm.s32 $0x80;
	s29 =	sadd.s32 $0x0, s12;
	s28 =	simm.s32 $0x1C800;
	v2 =	vadd.f32 v5, v2;
	v3 =	vadd.f32 v63, v3  }
.LBB2_24:
0x16a: {  	[tilespmem:s25], [sflag:$0x2] =	stream.linear.gather [hbm4b:s29+s3], $0x80, $0x38;
	[tilespmem:$0x1E780] =	vst v63  }
0x16b: {  	s29 =	smov.u32 s26;
	s25 =	smov.u32 s28;
	p0 =	sne.s32 s26, $0xF80  }
.Ltmp11:
0x16c: {  	s26 =	sadd.s32 $0x80, s26;
	(pc) =	sbr.rel @p0 .LBB2_24-.Ltmp11, $2  }
0x16d: {  	_ =	sdelay $0x2  }
0x16e: {  	s28 =	sadd.s32 $0x100, s28;
	s29 =	sadd.s32 s29, s12  }
0x16f: {  	[tilespmem:s25], [sflag:$0x2] =	stream.linear.gather [hbm4b:s29+s3], $0x80, $0x38;
	[tilespmem:$0x1E780] =	vst v63  }
0x170: {  	_ =	swait.ge [sflag:s22], $0x1000  }
0x171: {  	[sflag:s22] =	ssyncset.done $0x0  }
0x172: {  	s28 =	simm.s32 $0x1C7F0;
	[sflag:s22] =	ssyncadd.s32 $0xFFFFF000  }
0x173: {  	v12 =	vld [tilespmem:s28+$0xFFFFFFD0]  }
0x174: {  	v4 =	vld [tilespmem:s28+$0xFFFFFFE0]  }
0x175: {  	v5 =	vld [tilespmem:s28+$0xFFFFFFF0]  }
0x176: {  	v6 =	vld [tilespmem:s28+$0xFFFFFF90]  }
0x177: {  	v7 =	vld [tilespmem:s28+$0xFFFFFFA0]  }
0x178: {  	v8 =	vld [tilespmem:s28+$0xFFFFFFB0]  }
0x179: {  	s25 =	simm.s32 $0x19770;
	v9 =	vld [tilespmem:s28+$0xFFFFFFC0]  }
0x17a: {  	v10 =	vld [tilespmem:s25+$0xFFFFFFD0]  }
0x17b: {  	v11 =	vld [tilespmem:s25+$0xFFFFFFE0]  }
0x17c: {  	v14 =	vld [tilespmem:s25+$0xFFFFFF90]  }
0x17d: {  	v15 =	vld [tilespmem:s25+$0xFFFFFFA0]  }
0x17e: {  	v16 =	vld [tilespmem:s25+$0xFFFFFFB0]  }
0x17f: {  	v18 =	vld [tilespmem:s25+$0xFFFFFFC0]  }
0x180: {  	v19 =	vld [tilespmem:s25+$0xFFFFFFF0]  }
0x181: {  	v20 =	vld [tilespmem:s25+$0x0]  }
0x182: {  	v21 =	vld.idx.msk [tilespmem:v10+s3+$0x0], $0xffff  }
0x183: {  	v13 =	vld.idx.msk [tilespmem:v11+s3+$0x0], $0xffff  }
0x184: {  	v17 =	vld.idx.msk [tilespmem:v14+s3+$0x0], $0xffff  }
0x185: {  	v14 =	vld.idx.msk [tilespmem:v15+s3+$0x0], $0xffff  }
0x186: {  	v16 =	vld.idx.msk [tilespmem:v16+s3+$0x0], $0xffff  }
0x187: {  	v15 =	vld.idx.msk [tilespmem:v18+s3+$0x0], $0xffff  }
0x188: {  	v11 =	vld.idx.msk [tilespmem:v19+s3+$0x0], $0xffff  }
0x189: {  	v10 =	vld.idx.msk [tilespmem:v20+s3+$0x0], $0xffff  }
0x18a: {  	s26 =	simm.s32 $0x0;
	v18 =	vsub.f32 v12, v21;
	v12 =	vld [tilespmem:s28+$0x0];
	s28 =	simm.s32 $0x1C8F0  }
.LBB2_26:
0x18b: {  	v19 =	vld [tilespmem:s28+$0xFFFFFFD0];
	v17 =	vsub.f32 v6, v17;
	v6 =	vsub.f32 v4, v13  }
0x18c: {  	v7 =	vsub.f32 v7, v14;
	v8 =	vsub.f32 v8, v16;
	v4 =	vld [tilespmem:s28+$0xFFFFFFE0]  }
0x18d: {  	v9 =	vsub.f32 v9, v15;
	v14 =	vmul.f32 v18, v18;
	v13 =	vld [tilespmem:s28+$0xFFFFFFF0];
	v15 =	vmul.f32 v6, v6  }
0x18e: {  	v16 =	vmul.f32 v17, v17;
	v17 =	vmul.f32 v7, v7;
	v5 =	vsub.f32 v5, v11;
	v6 =	vld [tilespmem:s28+$0xFFFFFF90]  }
0x18f: {  	v11 =	vmul.f32 v8, v8;
	v18 =	vmul.f32 v9, v9;
	v7 =	vld [tilespmem:s28+$0xFFFFFFA0];
	v10 =	vsub.f32 v12, v10  }
0x190: {  	v0 =	vadd.f32 v16, v0;
	v1 =	vadd.f32 v17, v1;
	v12 =	vmul.f32 v5, v5;
	v8 =	vld [tilespmem:s28+$0xFFFFFFB0]  }
0x191: {  	s25 =	sadd.s32 $0x80, s25;
	v2 =	vadd.f32 v11, v2;
	v3 =	vadd.f32 v18, v3;
	v9 =	vld [tilespmem:s28+$0xFFFFFFC0];
	v10 =	vmul.f32 v10, v10  }
0x192: {  	v0 =	vadd.f32 v14, v0;
	v1 =	vadd.f32 v15, v1;
	v11 =	vld [tilespmem:s25+$0xFFFFFFD0];
	v5 =	vmov v13  }
0x193: {  	v2 =	vadd.f32 v12, v2;
	v13 =	vld [tilespmem:s25+$0xFFFFFFE0];
	v3 =	vadd.f32 v10, v3  }
0x194: {  	v10 =	vld [tilespmem:s25+$0xFFFFFF90]  }
0x195: {  	v12 =	vld [tilespmem:s25+$0xFFFFFFA0]  }
0x196: {  	v15 =	vld [tilespmem:s25+$0xFFFFFFB0]  }
0x197: {  	s26 =	sadd.s32 $0x8, s26;
	v18 =	vld [tilespmem:s25+$0xFFFFFFC0]  }
0x198: {  	p0 =	slt.u32 s26, $0xF8;
	v20 =	vld [tilespmem:s25+$0xFFFFFFF0]  }
0x199: {  	v21 =	vld [tilespmem:s25+$0x0]  }
0x19a: {  	v22 =	vld.idx.msk [tilespmem:v11+s3+$0x0], $0xffff  }
0x19b: {  	v13 =	vld.idx.msk [tilespmem:v13+s3+$0x0], $0xffff  }
0x19c: {  	v17 =	vld.idx.msk [tilespmem:v10+s3+$0x0], $0xffff  }
0x19d: {  	v14 =	vld.idx.msk [tilespmem:v12+s3+$0x0], $0xffff  }
.Ltmp12:
0x19e: {  	v16 =	vld.idx.msk [tilespmem:v15+s3+$0x0], $0xffff;
	(pc) =	sbr.rel @p0 .LBB2_26-.Ltmp12, $4  }
0x19f: {  	v15 =	vld.idx.msk [tilespmem:v18+s3+$0x0], $0xffff  }
0x1a0: {  	v11 =	vld.idx.msk [tilespmem:v20+s3+$0x0], $0xffff  }
0x1a1: {  	v10 =	vld.idx.msk [tilespmem:v21+s3+$0x0], $0xffff  }
0x1a2: {  	v18 =	vsub.f32 v19, v22;
	v12 =	vld [tilespmem:s28+$0x0];
	s28 =	sadd.s32 $0x100, s28  }
0x1a3: {  	v6 =	vsub.f32 v6, v17;
	v4 =	vsub.f32 v4, v13  }
0x1a4: {  	v7 =	vsub.f32 v7, v14;
	v8 =	vsub.f32 v8, v16  }
0x1a5: {  	v9 =	vsub.f32 v9, v15;
	v60 =	vmul.f32 v18, v18;
	v4 =	vmul.f32 v4, v4  }
0x1a6: {  	v6 =	vmul.f32 v6, v6;
	v7 =	vmul.f32 v7, v7;
	v5 =	vsub.f32 v5, v11  }
0x1a7: {  	v8 =	vmul.f32 v8, v8;
	v9 =	vmul.f32 v9, v9;
	v10 =	vsub.f32 v12, v10  }
0x1a8: {  	v0 =	vadd.f32 v6, v0;
	v1 =	vadd.f32 v7, v1;
	v5 =	vmul.f32 v5, v5  }
0x1a9: {  	v61 =	vadd.f32 v8, v2;
	v62 =	vadd.f32 v9, v3;
	v63 =	vmul.f32 v10, v10  }
0x1aa: {  	s25 =	simm.s32 $0x1C780;
	v3 =	vadd.f32 v60, v0;
	v2 =	vadd.f32 v4, v1  }
0x1ab: {  	s26 =	simm.s32 $0x80;
	s29 =	sadd.s32 $0x0, s13;
	s28 =	simm.s32 $0x1C880;
	v1 =	vadd.f32 v5, v61;
	v0 =	vadd.f32 v63, v62  }
.LBB2_28:
0x1ac: {  	[tilespmem:s25], [sflag:$0x3] =	stream.linear.gather [hbm4b:s29+s3], $0x80, $0x38;
	[tilespmem:$0x1E780] =	vst v63  }
0x1ad: {  	s29 =	smov.u32 s26;
	s25 =	smov.u32 s28;
	p0 =	sne.s32 s26, $0xF80  }
.Ltmp13:
0x1ae: {  	s26 =	sadd.s32 $0x80, s26;
	(pc) =	sbr.rel @p0 .LBB2_28-.Ltmp13, $2  }
0x1af: {  	_ =	sdelay $0x2  }
0x1b0: {  	s28 =	sadd.s32 $0x100, s28;
	s29 =	sadd.s32 s29, s13  }
0x1b1: {  	[tilespmem:s25], [sflag:$0x3] =	stream.linear.gather [hbm4b:s29+s3], $0x80, $0x38;
	[tilespmem:$0x1E780] =	vst v63  }
0x1b2: {  	_ =	swait.ge [sflag:s21], $0x1000  }
0x1b3: {  	[sflag:s21] =	ssyncset.done $0x0  }
0x1b4: {  	s28 =	simm.s32 $0x1C740;
	[sflag:s21] =	ssyncadd.s32 $0xFFFFF000  }
0x1b5: {  	v4 =	vld [tilespmem:s28+$0x0]  }
0x1b6: {  	v5 =	vld [tilespmem:s28+$0x10]  }
0x1b7: {  	v9 =	vld [tilespmem:s28+$0x20]  }
0x1b8: {  	v10 =	vld [tilespmem:s28+$0xFFFFFFC0]  }
0x1b9: {  	v11 =	vld [tilespmem:s28+$0xFFFFFFD0]  }
0x1ba: {  	v13 =	vld [tilespmem:s28+$0xFFFFFFE0]  }
0x1bb: {  	s25 =	simm.s32 $0x1A770;
	v14 =	vld [tilespmem:s28+$0xFFFFFFF0]  }
0x1bc: {  	v6 =	vld [tilespmem:s25+$0xFFFFFFD0]  }
0x1bd: {  	v7 =	vld [tilespmem:s25+$0xFFFFFFE0]  }
0x1be: {  	v8 =	vld [tilespmem:s25+$0xFFFFFF90]  }
0x1bf: {  	v12 =	vld [tilespmem:s25+$0xFFFFFFA0]  }
0x1c0: {  	v15 =	vld [tilespmem:s25+$0xFFFFFFB0]  }
0x1c1: {  	v16 =	vld [tilespmem:s25+$0xFFFFFFC0]  }
0x1c2: {  	v17 =	vld [tilespmem:s25+$0xFFFFFFF0]  }
0x1c3: {  	v18 =	vld [tilespmem:s25+$0x0]  }
0x1c4: {  	v6 =	vld.idx.msk [tilespmem:v6+s3+$0x0], $0xffff  }
0x1c5: {  	v19 =	vld.idx.msk [tilespmem:v7+s3+$0x0], $0xffff  }
0x1c6: {  	v24 =	vld.idx.msk [tilespmem:v8+s3+$0x0], $0xffff  }
0x1c7: {  	v23 =	vld.idx.msk [tilespmem:v12+s3+$0x0], $0xffff  }
0x1c8: {  	v22 =	vld.idx.msk [tilespmem:v15+s3+$0x0], $0xffff  }
0x1c9: {  	v20 =	vld.idx.msk [tilespmem:v16+s3+$0x0], $0xffff  }
0x1ca: {  	v17 =	vld.idx.msk [tilespmem:v17+s3+$0x0], $0xffff  }
0x1cb: {  	v16 =	vld.idx.msk [tilespmem:v18+s3+$0x0], $0xffff  }
0x1cc: {  	s26 =	simm.s32 $0x0;
	v18 =	vld [tilespmem:s28+$0x30];
	s28 =	simm.s32 $0x1C840;
	v21 =	vsub.f32 v4, v6  }
.LBB2_30:
0x1cd: {  	v4 =	vld [tilespmem:s28+$0x0];
	v6 =	vsub.f32 v10, v24;
	v7 =	vsub.f32 v5, v19  }
0x1ce: {  	v8 =	vsub.f32 v11, v23;
	v12 =	vsub.f32 v13, v22;
	v5 =	vld [tilespmem:s28+$0x10]  }
0x1cf: {  	v13 =	vsub.f32 v14, v20;
	v19 =	vmul.f32 v21, v21;
	v15 =	vld [tilespmem:s28+$0x20];
	v7 =	vmul.f32 v7, v7  }
0x1d0: {  	v6 =	vmul.f32 v6, v6;
	v8 =	vmul.f32 v8, v8;
	v9 =	vsub.f32 v9, v17;
	v10 =	vld [tilespmem:s28+$0xFFFFFFC0]  }
0x1d1: {  	v12 =	vmul.f32 v12, v12;
	v17 =	vmul.f32 v13, v13;
	v11 =	vld [tilespmem:s28+$0xFFFFFFD0];
	v16 =	vsub.f32 v18, v16  }
0x1d2: {  	v3 =	vadd.f32 v6, v3;
	v2 =	vadd.f32 v8, v2;
	v6 =	vmul.f32 v9, v9;
	v13 =	vld [tilespmem:s28+$0xFFFFFFE0]  }
0x1d3: {  	s25 =	sadd.s32 $0x80, s25;
	v1 =	vadd.f32 v12, v1;
	v0 =	vadd.f32 v17, v0;
	v14 =	vld [tilespmem:s28+$0xFFFFFFF0];
	v8 =	vmul.f32 v16, v16  }
0x1d4: {  	v3 =	vadd.f32 v19, v3;
	v2 =	vadd.f32 v7, v2;
	v12 =	vld [tilespmem:s25+$0xFFFFFFD0];
	v9 =	vmov v15  }
0x1d5: {  	v1 =	vadd.f32 v6, v1;
	v7 =	vld [tilespmem:s25+$0xFFFFFFE0];
	v0 =	vadd.f32 v8, v0  }
0x1d6: {  	v6 =	vld [tilespmem:s25+$0xFFFFFF90]  }
0x1d7: {  	v8 =	vld [tilespmem:s25+$0xFFFFFFA0]  }
0x1d8: {  	v15 =	vld [tilespmem:s25+$0xFFFFFFB0]  }
0x1d9: {  	s26 =	sadd.s32 $0x8, s26;
	v16 =	vld [tilespmem:s25+$0xFFFFFFC0]  }
0x1da: {  	p0 =	slt.u32 s26, $0xF8;
	v17 =	vld [tilespmem:s25+$0xFFFFFFF0]  }
0x1db: {  	v18 =	vld [tilespmem:s25+$0x0]  }
0x1dc: {  	v12 =	vld.idx.msk [tilespmem:v12+s3+$0x0], $0xffff  }
0x1dd: {  	v19 =	vld.idx.msk [tilespmem:v7+s3+$0x0], $0xffff  }
0x1de: {  	v24 =	vld.idx.msk [tilespmem:v6+s3+$0x0], $0xffff  }
0x1df: {  	v23 =	vld.idx.msk [tilespmem:v8+s3+$0x0], $0xffff  }
.Ltmp14:
0x1e0: {  	v22 =	vld.idx.msk [tilespmem:v15+s3+$0x0], $0xffff;
	(pc) =	sbr.rel @p0 .LBB2_30-.Ltmp14, $4  }
0x1e1: {  	v20 =	vld.idx.msk [tilespmem:v16+s3+$0x0], $0xffff  }
0x1e2: {  	v17 =	vld.idx.msk [tilespmem:v17+s3+$0x0], $0xffff  }
0x1e3: {  	v16 =	vld.idx.msk [tilespmem:v18+s3+$0x0], $0xffff  }
0x1e4: {  	v21 =	vsub.f32 v4, v12;
	v18 =	vld [tilespmem:s28+$0x30];
	s28 =	sadd.s32 $0x100, s28  }
0x1e5: {  	_ =	swait.ge [sflag:s22], $0x1000  }
0x1e6: {  	[sflag:s22] =	ssyncset.done $0x0  }
0x1e7: {  	s28 =	simm.s32 $0x1C7F0;
	[sflag:s22] =	ssyncadd.s32 $0xFFFFF000  }
0x1e8: {  	v25 =	vld [tilespmem:s28+$0xFFFFFFD0]  }
0x1e9: {  	v4 =	vld [tilespmem:s28+$0xFFFFFFE0]  }
0x1ea: {  	v6 =	vld [tilespmem:s28+$0xFFFFFFF0]  }
0x1eb: {  	v7 =	vld [tilespmem:s28+$0xFFFFFF90]  }
0x1ec: {  	v8 =	vld [tilespmem:s28+$0xFFFFFFA0]  }
0x1ed: {  	v12 =	vld [tilespmem:s28+$0xFFFFFFB0]  }
0x1ee: {  	s25 =	simm.s32 $0x1B770;
	v15 =	vld [tilespmem:s28+$0xFFFFFFC0]  }
0x1ef: {  	v26 =	vld [tilespmem:s25+$0xFFFFFFD0]  }
0x1f0: {  	v27 =	vld [tilespmem:s25+$0xFFFFFFE0]  }
0x1f1: {  	v14 =	vsub.f32 v14, v20;
	v28 =	vld [tilespmem:s25+$0xFFFFFF90]  }
0x1f2: {  	v29 =	vld [tilespmem:s25+$0xFFFFFFA0]  }
0x1f3: {  	v30 =	vld [tilespmem:s25+$0xFFFFFFB0];
	v14 =	vmul.f32 v14, v14;
	v18 =	vsub.f32 v18, v16  }
0x1f4: {  	v31 =	vld [tilespmem:s25+$0xFFFFFFC0]  }
0x1f5: {  	v32 =	vld [tilespmem:s25+$0xFFFFFFF0];
	v0 =	vadd.f32 v14, v0;
	v14 =	vmul.f32 v18, v18  }
0x1f6: {  	v60 =	vld [tilespmem:s25+$0x0]  }
0x1f7: {  	v0 =	vadd.f32 v14, v0;
	v14 =	vld [tilespmem:s28+$0x0]  }
0x1f8: {  	v10 =	vsub.f32 v10, v24;
	v11 =	vsub.f32 v11, v23;
	v61 =	vld.idx.msk [tilespmem:v26+s3+$0x0], $0xffff  }
0x1f9: {  	v19 =	vsub.f32 v5, v19;
	v13 =	vsub.f32 v13, v22;
	v5 =	vld.idx.msk [tilespmem:v27+s3+$0x0], $0xffff  }
0x1fa: {  	v62 =	vmul.f32 v10, v10;
	v9 =	vsub.f32 v9, v17;
	v17 =	vmul.f32 v11, v11;
	v10 =	vld.idx.msk [tilespmem:v28+s3+$0x0], $0xffff  }
0x1fb: {  	v20 =	vmul.f32 v21, v21;
	v13 =	vmul.f32 v13, v13;
	v11 =	vld.idx.msk [tilespmem:v29+s3+$0x0], $0xffff  }
0x1fc: {  	v19 =	vmul.f32 v19, v19;
	v3 =	vadd.f32 v62, v3;
	v2 =	vadd.f32 v17, v2;
	v16 =	vld.idx.msk [tilespmem:v30+s3+$0x0], $0xffff  }
0x1fd: {  	v63 =	vadd.f32 v13, v1;
	v9 =	vmul.f32 v9, v9;
	v17 =	vld.idx.msk [tilespmem:v31+s3+$0x0], $0xffff  }
0x1fe: {  	v1 =	vadd.f32 v20, v3;
	v3 =	vadd.f32 v19, v2;
	v13 =	vld.idx.msk [tilespmem:v32+s3+$0x0], $0xffff  }
0x1ff: {  	s26 =	simm.s32 $0x0;
	v2 =	vadd.f32 v9, v63;
	s28 =	simm.s32 $0x1C8F0;
	v9 =	vld.idx.msk [tilespmem:v60+s3+$0x0], $0xffff;
	v18 =	vsub.f32 v25, v61  }
.LBB2_32:
0x200: {  	v19 =	vld [tilespmem:s28+$0xFFFFFFD0];
	v10 =	vsub.f32 v7, v10;
	v5 =	vsub.f32 v4, v5  }
0x201: {  	v8 =	vsub.f32 v8, v11;
	v11 =	vsub.f32 v12, v16;
	v4 =	vld [tilespmem:s28+$0xFFFFFFE0]  }
0x202: {  	v12 =	vsub.f32 v15, v17;
	v17 =	vmul.f32 v18, v18;
	v16 =	vld [tilespmem:s28+$0xFFFFFFF0];
	v5 =	vmul.f32 v5, v5  }
0x203: {  	v10 =	vmul.f32 v10, v10;
	v15 =	vmul.f32 v8, v8;
	v6 =	vsub.f32 v6, v13;
	v7 =	vld [tilespmem:s28+$0xFFFFFF90]  }
0x204: {  	v11 =	vmul.f32 v11, v11;
	v13 =	vmul.f32 v12, v12;
	v8 =	vld [tilespmem:s28+$0xFFFFFFA0];
	v9 =	vsub.f32 v14, v9  }
0x205: {  	v1 =	vadd.f32 v10, v1;
	v3 =	vadd.f32 v15, v3;
	v10 =	vmul.f32 v6, v6;
	v12 =	vld [tilespmem:s28+$0xFFFFFFB0]  }
0x206: {  	s25 =	sadd.s32 $0x80, s25;
	v2 =	vadd.f32 v11, v2;
	v0 =	vadd.f32 v13, v0;
	v15 =	vld [tilespmem:s28+$0xFFFFFFC0];
	v9 =	vmul.f32 v9, v9  }
0x207: {  	v1 =	vadd.f32 v17, v1;
	v3 =	vadd.f32 v5, v3;
	v11 =	vld [tilespmem:s25+$0xFFFFFFD0];
	v6 =	vmov v16  }
0x208: {  	v2 =	vadd.f32 v10, v2;
	v5 =	vld [tilespmem:s25+$0xFFFFFFE0];
	v0 =	vadd.f32 v9, v0  }
0x209: {  	v9 =	vld [tilespmem:s25+$0xFFFFFF90]  }
0x20a: {  	v13 =	vld [tilespmem:s25+$0xFFFFFFA0]  }
0x20b: {  	v14 =	vld [tilespmem:s25+$0xFFFFFFB0]  }
0x20c: {  	s26 =	sadd.s32 $0x8, s26;
	v17 =	vld [tilespmem:s25+$0xFFFFFFC0]  }
0x20d: {  	p0 =	slt.u32 s26, $0xF8;
	v18 =	vld [tilespmem:s25+$0xFFFFFFF0]  }
0x20e: {  	v20 =	vld [tilespmem:s25+$0x0]  }
0x20f: {  	v21 =	vld.idx.msk [tilespmem:v11+s3+$0x0], $0xffff  }
0x210: {  	v5 =	vld.idx.msk [tilespmem:v5+s3+$0x0], $0xffff  }
0x211: {  	v10 =	vld.idx.msk [tilespmem:v9+s3+$0x0], $0xffff  }
0x212: {  	v11 =	vld.idx.msk [tilespmem:v13+s3+$0x0], $0xffff  }
.Ltmp15:
0x213: {  	v16 =	vld.idx.msk [tilespmem:v14+s3+$0x0], $0xffff;
	(pc) =	sbr.rel @p0 .LBB2_32-.Ltmp15, $4  }
0x214: {  	v17 =	vld.idx.msk [tilespmem:v17+s3+$0x0], $0xffff  }
0x215: {  	v13 =	vld.idx.msk [tilespmem:v18+s3+$0x0], $0xffff  }
0x216: {  	v9 =	vld.idx.msk [tilespmem:v20+s3+$0x0], $0xffff  }
0x217: {  	v18 =	vsub.f32 v19, v21;
	v14 =	vld [tilespmem:s28+$0x0];
	s28 =	sadd.s32 $0x100, s28  }
0x218: {  	v7 =	vsub.f32 v7, v10;
	v8 =	vsub.f32 v8, v11  }
0x219: {  	v4 =	vsub.f32 v4, v5;
	v57 =	vsub.f32 v12, v16  }
0x21a: {  	v58 =	vsub.f32 v15, v17;
	v7 =	vmul.f32 v7, v7;
	v8 =	vmul.f32 v8, v8  }
0x21b: {  	v59 =	vmul.f32 v18, v18;
	v6 =	vsub.f32 v6, v13;
	v5 =	vmul.f32 v57, v57  }
0x21c: {  	v4 =	vmul.f32 v4, v4;
	v1 =	vadd.f32 v7, v1;
	v3 =	vadd.f32 v8, v3  }
0x21d: {  	v60 =	vmul.f32 v58, v58;
	v61 =	vsub.f32 v14, v9;
	v2 =	vadd.f32 v5, v2  }
0x21e: {  	v62 =	vmul.f32 v6, v6;
	v1 =	vadd.f32 v59, v1;
	v3 =	vadd.f32 v4, v3  }
0x21f: {  	v0 =	vadd.f32 v60, v0  }
0x220: {  	v63 =	vmul.f32 v61, v61;
	v2 =	vadd.f32 v62, v2;
	v1 =	vadd.f32 v3, v1;
	_ =	sdelay $0x1  }
0x221: {  	v0 =	vadd.f32 v63, v0;
	v1 =	vadd.f32 v2, v1;
	_ =	sdelay $0x1  }
0x222: {  	v0 =	vadd.f32 v0, v1;
	_ =	sdelay $0x1  }
0x223: {  	s24 =	sadd.s32 $0x1, s24;
	v0 =	vmul.f32 $5.000000000e-01, v0  }
0x224: {  	p0 =	sne.s32 s24, s15  }
.Ltmp16:
0x225: {  	[tilespmem:$0x1E700] =	vst v0;
	(pc) =	sbr.rel @p0 .LBB2_1-.Ltmp16, $4  }
0x226: {  	[hbm4b:s14+s3] =	stream.linear.scatter [tilespmem:s23], [sflag:$0x4], $0x80, $0x38;
	[tilespmem:$0x1E780] =	vst v63  }
0x227: {  	_ =	swait.ge [sflag:s19], $0x80  }
0x228: {  	[sflag:s19] =	ssyncset.done $0x0  }
0x229: {  	[sflag:s19] =	ssyncadd.s32 $0xFFFFFF80  }
0x22a: {  	_ =	sfence.sel $0x180000  }
0x22b: {  	[bflag:$0x0] =	sbarrier.arrive $0xFFFF  }
0x22c: {  	p0 =	sne.s32 s2, $0x0;
	_ =	strace $0x90000047  }
0x22d: {  	s0 =	sadd.s32 @!p0 $0x100000, s0;
	[bflag:$0x2] =	sbarrier.arrive $0xFFFF  }
0x22e: {  	[sflag:s0] =	ssyncadd.tile.s32 @!p0 $0x1;
	_ =	shalt  }
.Lfunc_end2:
_tile_overlayer_lowered:
.L_overlay_start_2:
0x22f: {  	(tag) =	ssettag $0x2  }
0x230: {  	s0 =	rddreg [dreg:$0x0];
	s2 =	stileid.u32  }
0x231: {  	s1 =	rddreg [dreg:$0x1];
	p0 =	sne.s32 s2, $0x0  }
0x232: {  	s3 =	rddreg [dreg:$0x2];
	[bflag:$0x3] =	sbarrier.arrive $0xFFFF;
	s2 =	simm.s32 @!p0 $0x1C04  }
0x233: {  	[timem:s3], [sflag:s2] =	dma.local @!p0 [hbm:s0], s1  }
0x234: {  	s0 =	simm.s32 @!p0 $0x4  }
0x235: {  	_ =	swait.ge @!p0 [sflag:s0], s1  }
0x236: {  	s1 =	ssub.s32 @!p0 $0x0, s1;
	[sflag:s0] =	ssyncset.done @!p0 $0x0  }
0x237: {  	[sflag:s0] =	ssyncadd.s32 @!p0 s1  }
0x238: {  	[bflag:$0x3] =	sbarrier.arrive $0xFFFF  }
0x239: {  	_ =	shalt  }

</sc_bundles>
